<compile_context>
chip_gen: v7x
topology: tpu7x:2x2x1
jax: 0.10.2.dev20260603
libtpu: 0.0.44.dev20260713+nightly
codegen_flags: <defaults>
</compile_context>

<pallas_src>
import functools

import jax
import jax.numpy as jnp
from jax import lax
from jax.experimental import pallas as pl
from jax.experimental.pallas import tpu as pltpu
from jax.experimental.pallas import tpu_sc as plsc


def _gemm_body(BR, lo_ref, e_ref, act_ref, hi_ref, x_ref, p_ref, wg_ref,
               wu_ref, wd_ref, o_ref):
    fb = pl.program_id(0)
    g = pl.program_id(1)

    @pl.when((fb == 0) & (g == 0))
    def _init():
        o_ref[...] = jnp.zeros_like(o_ref)

    @pl.when(act_ref[g] == 1)
    def _compute():
        lo = pl.multiple_of(lo_ref[g], 8)
        x = x_ref[pl.ds(lo, BR), :]
        gate = lax.dot_general(x, wg_ref[0], (((1,), (1,)), ((), ())),
                               preferred_element_type=jnp.float32)
        up = lax.dot_general(x, wu_ref[0], (((1,), (1,)), ((), ())),
                             preferred_element_type=jnp.float32)
        h = (gate * jax.nn.sigmoid(gate)) * up
        rows = lo + lax.broadcasted_iota(jnp.int32, (BR, 1), 0)
        h = h * jnp.where(rows < hi_ref[g], p_ref[pl.ds(lo, BR), :], 0.0)
        out = lax.dot_general(h, wd_ref[0], (((1,), (1,)), ((), ())),
                              preferred_element_type=jnp.float32)
        o_ref[pl.ds(lo, BR), :] += out


def kernel(hidden_states, router_weights, ori_shape, selected_experts,
           topk_map, token_per_expert, gate_weight, up_weight, down_weight):
    S, D = hidden_states.shape
    K = router_weights.shape[1]
    E = token_per_expert.shape[0]
    F = gate_weight.shape[0] // E
    KS = K * S

    BR = 512
    BF = 512
    PAD = 8
    KSP = KS + E * (PAD - 1) + BR
    KSP = ((KSP + 31) // 32) * 32
    G_MAX = KS // BR + E

    flat_e = selected_experts.T.reshape(-1).astype(jnp.int32)
    oh = (flat_e[:, None] == jnp.arange(E, dtype=jnp.int32)[None, :])
    CHK = 128
    NCK = KS // CHK
    oh3 = oh.astype(jnp.float32).reshape(NCK, CHK, E)
    lt = (jnp.arange(CHK)[:, None] >= jnp.arange(CHK)[None, :]).astype(
        jnp.float32)
    intra = jnp.einsum("ij,cje->cie", lt, oh3,
                       precision=lax.Precision.HIGHEST)
    lts = (jnp.arange(NCK)[:, None] > jnp.arange(NCK)[None, :]).astype(
        jnp.float32)
    base = jnp.einsum("cd,de->ce", lts, oh3.sum(axis=1),
                      precision=lax.Precision.HIGHEST)
    cum = (intra + base[:, None, :]).reshape(KS, E)
    within = jnp.round(jnp.sum(cum * oh.astype(jnp.float32), axis=1)
                       ).astype(jnp.int32) - 1
    tpe = token_per_expert.astype(jnp.int32)
    tpe_pad = ((tpe + PAD - 1) // PAD) * PAD
    offp = jnp.concatenate([jnp.zeros((1,), jnp.int32),
                            jnp.cumsum(tpe_pad)]).astype(jnp.int32)
    rankp = offp[flat_e] + within

    flat_tok = jnp.tile(jnp.arange(S, dtype=jnp.int32), K)
    src_tok = jnp.zeros((KSP,), jnp.int32).at[rankp].set(flat_tok)
    probs_p = jnp.zeros((KSP,), jnp.float32).at[rankp].set(
        router_weights.T.reshape(-1).astype(jnp.float32))
    pos0 = rankp[:S]
    pos1 = rankp[S:]

    nblk = (tpe + BR - 1) // BR
    blk_cum = jnp.cumsum(nblk)
    nblocks = blk_cum[-1]
    gids = jnp.arange(G_MAX, dtype=jnp.int32)
    e_of_g = jnp.minimum(
        jnp.searchsorted(blk_cum, gids, side="right"), E - 1).astype(jnp.int32)
    blk_base = blk_cum - nblk
    j_of_g = gids - blk_base[e_of_g]
    lo_g = offp[e_of_g] + j_of_g * BR
    act_g = (gids < nblocks).astype(jnp.int32)
    lo_g = jnp.where(act_g == 1, lo_g, 0).astype(jnp.int32)
    hi_g = jnp.minimum(offp[e_of_g] + tpe[e_of_g], lo_g + BR)
    hi_g = jnp.where(act_g == 1, hi_g, 0).astype(jnp.int32)

    Wg3 = gate_weight.reshape(E, F, D)
    Wu3 = up_weight.reshape(E, F, D)
    Wd3 = down_weight.reshape(E, D, F)

    mesh = plsc.VectorSubcoreMesh(core_axis_name="c", subcore_axis_name="s",
                                  num_cores=2, num_subcores=16)
    NW = 32
    CH = 32
    NCHUNK = KSP // CH

    @functools.partial(
        pl.kernel,
        out_type=jax.ShapeDtypeStruct((KSP, D), jnp.float32),
        mesh=mesh,
        scratch_types=[
            pltpu.VMEM((CH,), jnp.int32),
            pltpu.VMEM((CH, D), jnp.float32),
            pltpu.SemaphoreType.DMA,
        ],
    )
    def _dispatch(x_hbm, idx_hbm, out_hbm, idx_v, rows_v, sem):
        wid = lax.axis_index("s") * 2 + lax.axis_index("c")

        def body(k, _):
            c = wid + k * NW

            @pl.when(c < NCHUNK)
            def _():
                base = c * CH
                pltpu.sync_copy(idx_hbm.at[pl.ds(base, CH)], idx_v)
                pltpu.async_copy(x_hbm.at[idx_v], rows_v, sem).wait()
                pltpu.sync_copy(rows_v, out_hbm.at[pl.ds(base, CH)])
            return 0

        lax.fori_loop(0, (NCHUNK + NW - 1) // NW, body, 0)

    grouped_x = _dispatch(hidden_states, src_tok)

    gemm_spec = pltpu.PrefetchScalarGridSpec(
        num_scalar_prefetch=4,
        grid=(F // BF, G_MAX),
        in_specs=[
            pl.BlockSpec((KSP, D), lambda fb, g, lo, e, a, hi: (0, 0)),
            pl.BlockSpec((KSP, 1), lambda fb, g, lo, e, a, hi: (0, 0)),
            pl.BlockSpec((1, BF, D), lambda fb, g, lo, e, a, hi: (e[g], fb, 0)),
            pl.BlockSpec((1, BF, D), lambda fb, g, lo, e, a, hi: (e[g], fb, 0)),
            pl.BlockSpec((1, D, BF), lambda fb, g, lo, e, a, hi: (e[g], 0, fb)),
        ],
        out_specs=pl.BlockSpec((KSP, D), lambda fb, g, lo, e, a, hi: (0, 0)),
    )
    down_out = pl.pallas_call(
        functools.partial(_gemm_body, BR),
        grid_spec=gemm_spec,
        out_shape=jax.ShapeDtypeStruct((KSP, D), jnp.float32),
        compiler_params=pltpu.CompilerParams(
            dimension_semantics=("arbitrary", "arbitrary")),
    )(lo_g, e_of_g, act_g, hi_g, grouped_x, probs_p[:, None], Wg3, Wu3, Wd3)

    CH2 = 32
    idx_comb = jnp.concatenate(
        [pos0.reshape(S // CH2, CH2), pos1.reshape(S // CH2, CH2)],
        axis=1).reshape(-1)

    @functools.partial(
        pl.kernel,
        out_type=jax.ShapeDtypeStruct((S, D), jnp.float32),
        mesh=mesh,
        scratch_types=[
            pltpu.VMEM((2 * CH2,), jnp.int32),
            pltpu.VMEM((2 * CH2, D), jnp.float32),
            pltpu.VMEM((CH2, D), jnp.float32),
            pltpu.SemaphoreType.DMA,
        ],
    )
    def _combine(d_hbm, idx_hbm, out_hbm, idx_v, buf_v, out_v, sem):
        wid = lax.axis_index("s") * 2 + lax.axis_index("c")
        npw = S // CH2 // NW

        def body(k, _):
            c = wid * npw + k
            pltpu.sync_copy(idx_hbm.at[pl.ds(c * 2 * CH2, 2 * CH2)], idx_v)
            pltpu.async_copy(d_hbm.at[idx_v], buf_v, sem).wait()

            def add_body(j, _):
                r = j // (D // 16)
                col = (j % (D // 16)) * 16
                out_v[r, pl.ds(col, 16)] = (buf_v[r, pl.ds(col, 16)] +
                                            buf_v[r + CH2, pl.ds(col, 16)])
                return 0

            lax.fori_loop(0, CH2 * (D // 16), add_body, 0)
            pltpu.sync_copy(out_v, out_hbm.at[pl.ds(c * CH2, CH2)])
            return 0

        lax.fori_loop(0, S // CH2 // NW, body, 0)

    final = _combine(down_out, idx_comb)
    return final + (ori_shape[0] * 0).astype(final.dtype)

# --- scband reference (transcript-rebuilt; emitter-appended) ---
"""Pipeline reference for scband-moe-group-mlp-3375844295161 (READ-ONLY COPY).

The authoritative reference and input builder live on the scoring server;
editing this copy changes nothing except your own understanding.
"""

import jax, jax.numpy as jnp
import numpy as np

S = 2048
D = 1024
F = 2048
E = 8
K = 2


def setup_inputs(seed: int = 0) -> dict:
    key = jax.random.key(seed)
    ks = jax.random.split(key, 6)
    hidden_states = jax.random.normal(ks[0], (S, D), dtype=jnp.float32)
    rw = jax.random.uniform(ks[1], (S, K), dtype=jnp.float32) + 0.1
    router_weights = rw / jnp.sum(rw, axis=1, keepdims=True)
    selected_experts = jax.random.randint(ks[2], (S, K), 0, E)
    token_per_expert = jnp.bincount(selected_experts.T.reshape(-1), length=E)
    topk_map = jnp.zeros((S, E), dtype=bool)
    gate_weight = jax.random.normal(ks[3], (F * E, D), dtype=jnp.float32) * (1.0 / np.sqrt(D))
    up_weight = jax.random.normal(ks[4], (F * E, D), dtype=jnp.float32) * (1.0 / np.sqrt(D))
    down_weight = jax.random.normal(ks[5], (D * E, F), dtype=jnp.float32) * (1.0 / np.sqrt(F))
    ori_shape = np.array([1, S, D], dtype=np.int64)
    return {
        "hidden_states": hidden_states,
        "router_weights": router_weights,
        "ori_shape": ori_shape,
        "selected_experts": selected_experts,
        "topk_map": topk_map,
        "token_per_expert": token_per_expert,
        "gate_weight": gate_weight,
        "up_weight": up_weight,
        "down_weight": down_weight,
    }


def reference(hidden_states, router_weights, ori_shape, selected_experts, topk_map, token_per_expert, gate_weight, up_weight, down_weight):
    seq_len = hidden_states.shape[0]
    hidden_dim = hidden_states.shape[1]
    topk = router_weights.shape[1]
    num_experts = token_per_expert.shape[0]
    num_tokens = hidden_states.shape[0]

    # moe_permute: duplicate tokens per top-k slot (k-major ordering to match probs = router_weights.T),
    # then sort duplicated rows by expert id (stable sort, as in TE moe_permute).
    flat_experts = selected_experts.T.reshape(-1)            # [K*S], index i = k*S + s
    flat_tokens = jnp.tile(jnp.arange(num_tokens), topk)     # token id for each duplicated row
    sort_idx = jnp.argsort(flat_experts)                     # jax argsort is stable
    grouped_input = hidden_states[flat_tokens[sort_idx]]     # [K*S, D]
    probs = router_weights.T.reshape(-1, 1)                  # [K*S, 1]

    sorted_experts = jnp.repeat(
        jnp.arange(num_experts), token_per_expert, total_repeat_length=topk * num_tokens
    )
    Wg = gate_weight.reshape(num_experts, -1, hidden_dim)
    Wu = up_weight.reshape(num_experts, -1, hidden_dim)
    Wd = down_weight.reshape(num_experts, hidden_dim, -1)

    # grouped GEMMs: gate -> silu, up, elementwise product, down
    down_output = jnp.zeros((topk * num_tokens, hidden_dim), dtype=hidden_states.dtype)
    for e in range(num_experts):
        gate = jax.nn.silu(grouped_input @ Wg[e].T)
        up = grouped_input @ Wu[e].T
        out_e = (gate * up) @ Wd[e].T
        down_output = jnp.where((sorted_experts == e)[:, None], out_e, down_output)

    # moe_unpermute: scatter back to duplicated-row order and apply router probs
    unperm = jnp.zeros_like(down_output).at[sort_idx].set(down_output)
    unperm = unperm * probs

    final = unperm.reshape(topk, seq_len, -1).transpose(1, 0, 2)
    final = jnp.sum(final, axis=1)
    final = final + (ori_shape[0] * 0).astype(final.dtype)
    return final

if __name__ == "__main__":
    import jax
    _d = setup_inputs()
    print(jax.jit(kernel)(*tuple(_d.values())))

</pallas_src>

<mosaic_0001>
#map = affine_map<(d0, d1) -> (0, 0)>
#map1 = affine_map<(d0, d1) -> (0)>
module attributes {stable_mosaic.version = 14 : i64} {
  func.func @_combine(%arg0: i32, %arg1: i32, %arg2: memref<4672x1024xf32, #tpu.memory_space<hbm>>, %arg3: memref<4096xi32, #tpu.memory_space<hbm>>, %arg4: memref<2048x1024xf32, #tpu.memory_space<hbm>>, %arg5: memref<64xi32, #tpu.memory_space<vmem>>, %arg6: memref<64x1024xf32, #tpu.memory_space<vmem>>, %arg7: memref<32x1024xf32, #tpu.memory_space<vmem>>, %arg8: memref<!tpu.dma_semaphore, #tpu.memory_space<semaphore_mem>>) attributes {dimension_semantics = [#tpu.dimension_semantics<core_parallel>, #tpu.dimension_semantics<subcore_parallel>], iteration_bounds = array<i64: 2, 16>, scalar_prefetch = 0 : i64, scratch_operands = 4 : i64, tpu.core_type = #tpu.core_type<sc_vector_subcore>, window_params = [{transform_indices = #map}, {transform_indices = #map1}, {transform_indices = #map}]} {
    %mul3A = arith.constant 2 : i32
    %mul3A_0 = arith.muli %arg1, %mul3A : i32
    %add3A = arith.addi %mul3A_0, %arg0 : i32
    %scan3A = arith.constant 0 : i32
    %scan3A_1 = arith.constant 0 : i32
    %scan3A_2 = arith.constant 2 : i32
    %scan3A_3 = arith.addi %scan3A_1, %scan3A_2 : i32
    %scan3A_4 = arith.constant 1 : i32
    %scan3A_5 = scf.for %scan3A_7 = %scan3A_1 to %scan3A_3 step %scan3A_4 iter_args(%scan3A_8 = %scan3A) -> (i32)  : i32 {
      %mul3A_9 = arith.constant 2 : i32
      %mul3A_10 = arith.muli %add3A, %mul3A_9 : i32
      %add3A_11 = arith.addi %mul3A_10, %scan3A_7 : i32
      %mul3A_12 = arith.constant 2 : i32
      %mul3A_13 = arith.muli %add3A_11, %mul3A_12 : i32
      %mul3A_14 = arith.constant 32 : i32
      %mul3A_15 = arith.muli %mul3A_13, %mul3A_14 : i32
      "tpu.region"() ({
        %run_scoped3A = tpu.sem_alloc : memref<!tpu.dma_semaphore, #tpu.memory_space<semaphore_mem>>
        %dma_start3A_30 = tpu.memref_slice %arg3[%mul3A_15] : memref<4096xi32, #tpu.memory_space<hbm>> -> memref<64xi32, #tpu.memory_space<hbm>>
        %dma_start3A_31 = tpu.memref_slice %arg3[%mul3A_15] : memref<4096xi32, #tpu.memory_space<hbm>> -> memref<64xi32, #tpu.memory_space<hbm>>
        tpu.enqueue_dma source(%dma_start3A_31 : memref<64xi32, #tpu.memory_space<hbm>>) target(%arg5 : memref<64xi32, #tpu.memory_space<vmem>>) target_semaphore(%run_scoped3A : memref<!tpu.dma_semaphore, #tpu.memory_space<semaphore_mem>>)
        %dma_wait3A_32 = tpu.memref_slice %arg3[%mul3A_15] : memref<4096xi32, #tpu.memory_space<hbm>> -> memref<64xi32, #tpu.memory_space<hbm>>
        %dma_wait3A_33 = tpu.memref_slice %arg3[%mul3A_15] : memref<4096xi32, #tpu.memory_space<hbm>> -> memref<64xi32, #tpu.memory_space<hbm>>
        tpu.wait_dma2 semaphore(%run_scoped3A : memref<!tpu.dma_semaphore, #tpu.memory_space<semaphore_mem>>) src(%dma_wait3A_33 : memref<64xi32, #tpu.memory_space<hbm>>) dst(%arg5 : memref<64xi32, #tpu.memory_space<vmem>>)
        tpu.yield
      }) : () -> ()
      %dma_start3A = arith.constant 0 : i32
      %dma_start3A_16 = arith.constant 0 : i32
      %dma_start3A_17 = tpu.memref_slice %arg2[%dma_start3A, %dma_start3A_16] : memref<4672x1024xf32, #tpu.memory_space<hbm>> -> memref<4672x1024xf32, #tpu.memory_space<hbm>>
      tpu.enqueue_indirect_dma source(%dma_start3A_17 : memref<4672x1024xf32, #tpu.memory_space<hbm>>) target(%arg6 : memref<64x1024xf32, #tpu.memory_space<vmem>>) offsets(%arg5 : memref<64xi32, #tpu.memory_space<vmem>>) semaphore(%arg8 : memref<!tpu.dma_semaphore, #tpu.memory_space<semaphore_mem>>)
      %dma_wait3A = arith.constant 0 : i32
      %dma_wait3A_18 = arith.constant 0 : i32
      %dma_wait3A_19 = tpu.memref_slice %arg2[%dma_wait3A, %dma_wait3A_18] : memref<4672x1024xf32, #tpu.memory_space<hbm>> -> memref<4672x1024xf32, #tpu.memory_space<hbm>>
      tpu.wait_indirect_dma semaphore(%arg8 : memref<!tpu.dma_semaphore, #tpu.memory_space<semaphore_mem>>) src(%dma_wait3A_19 : memref<4672x1024xf32, #tpu.memory_space<hbm>>) dst(%arg6 : memref<64x1024xf32, #tpu.memory_space<vmem>>)
      %scan3A_20 = arith.constant 0 : i32
      %scan3A_21 = arith.constant 0 : i32
      %scan3A_22 = arith.constant 2048 : i32
      %scan3A_23 = arith.addi %scan3A_21, %scan3A_22 : i32
      %scan3A_24 = arith.constant 1 : i32
      %scan3A_25 = scf.for %scan3A_30 = %scan3A_21 to %scan3A_23 step %scan3A_24 iter_args(%scan3A_31 = %scan3A_20) -> (i32)  : i32 {
        %jit3A = arith.constant 64 : i32
        %div3A = arith.divsi %scan3A_30, %jit3A : i32
        %sign3A = arith.constant 0 : i32
        %sign3A_32 = arith.cmpi sgt, %scan3A_30, %sign3A : i32
        %sign3A_33 = arith.extui %sign3A_32 : i1 to i32
        %sign3A_34 = arith.constant 0 : i32
        %sign3A_35 = arith.cmpi slt, %scan3A_30, %sign3A_34 : i32
        %sign3A_36 = arith.extui %sign3A_35 : i1 to i32
        %sign3A_37 = arith.subi %sign3A_33, %sign3A_36 : i32
        %sign3A_38 = arith.constant 0 : i32
        %sign3A_39 = arith.cmpi sgt, %jit3A, %sign3A_38 : i32
        %sign3A_40 = arith.extui %sign3A_39 : i1 to i32
        %sign3A_41 = arith.constant 0 : i32
        %sign3A_42 = arith.cmpi slt, %jit3A, %sign3A_41 : i32
        %sign3A_43 = arith.extui %sign3A_42 : i1 to i32
        %sign3A_44 = arith.subi %sign3A_40, %sign3A_43 : i32
        %ne3A = arith.cmpi ne, %sign3A_37, %sign3A_44 : i32
        %rem3A = arith.remsi %scan3A_30, %jit3A : i32
        %ne3A_45 = arith.constant 0 : i32
        %ne3A_46 = arith.cmpi ne, %rem3A, %ne3A_45 : i32
        %and3A = arith.andi %ne3A, %ne3A_46 : i1
        %sub3A = arith.constant 1 : i32
        %sub3A_47 = arith.subi %div3A, %sub3A : i32
        %select_n3A = arith.select %and3A, %sub3A_47, %div3A : i32
        %jit3A_48 = arith.constant 64 : i32
        %eq3A = arith.constant 0 : i32
        %eq3A_49 = arith.cmpi eq, %jit3A_48, %eq3A : i32
        %jit3A_50 = arith.constant 1 : i32
        %select_n3A_51 = arith.select %eq3A_49, %jit3A_50, %jit3A_48 : i32
        %rem3A_52 = arith.remsi %scan3A_30, %select_n3A_51 : i32
        %ne3A_53 = arith.constant 0 : i32
        %ne3A_54 = arith.cmpi ne, %rem3A_52, %ne3A_53 : i32
        %lt3A = arith.constant 0 : i32
        %lt3A_55 = arith.cmpi slt, %rem3A_52, %lt3A : i32
        %lt3A_56 = arith.constant 0 : i32
        %lt3A_57 = arith.cmpi slt, %select_n3A_51, %lt3A_56 : i32
        %ne3A_58 = arith.xori %lt3A_55, %lt3A_57 : i1
        %and3A_59 = arith.andi %ne3A_58, %ne3A_54 : i1
        %add3A_60 = arith.addi %rem3A_52, %select_n3A_51 : i32
        %select_n3A_61 = arith.select %and3A_59, %add3A_60, %rem3A_52 : i32
        %mul3A_62 = arith.constant 16 : i32
        %mul3A_63 = arith.muli %select_n3A_61, %mul3A_62 : i32
        %get3A = arith.index_cast %select_n3A : i32 to index
        %get3A_64 = arith.index_cast %mul3A_63 : i32 to index
        %get3A_65 = tpu.vector_load %arg6[%get3A, %get3A_64] {strides = array<i32>} : memref<64x1024xf32, #tpu.memory_space<vmem>>, vector<1x16xf32>,
        %get3A_66 = vector.shape_cast %get3A_65 : vector<1x16xf32> to vector<16xf32>
        %add3A_67 = arith.constant 32 : i32
        %add3A_68 = arith.addi %select_n3A, %add3A_67 : i32
        %get3A_69 = arith.index_cast %add3A_68 : i32 to index
        %get3A_70 = arith.index_cast %mul3A_63 : i32 to index
        %get3A_71 = tpu.vector_load %arg6[%get3A_69, %get3A_70] {strides = array<i32>} : memref<64x1024xf32, #tpu.memory_space<vmem>>, vector<1x16xf32>,
        %get3A_72 = vector.shape_cast %get3A_71 : vector<1x16xf32> to vector<16xf32>
        %add3A_73 = arith.addf %get3A_66, %get3A_72 : vector<16xf32>
        %swap3A = arith.index_cast %select_n3A : i32 to index
        %swap3A_74 = arith.index_cast %mul3A_63 : i32 to index
        %swap3A_75 = tpu.vector_load %arg7[%swap3A, %swap3A_74] {strides = array<i32>} : memref<32x1024xf32, #tpu.memory_space<vmem>>, vector<1x16xf32>,
        %swap3A_76 = vector.shape_cast %swap3A_75 : vector<1x16xf32> to vector<16xf32>
        %swap3A_77 = vector.shape_cast %add3A_73 : vector<16xf32> to vector<1x16xf32>
        tpu.vector_store %arg7[%swap3A, %swap3A_74], %swap3A_77 {strides = array<i32>} : memref<32x1024xf32, #tpu.memory_space<vmem>>, vector<1x16xf32>,
        %scan3A_78 = arith.constant 0 : i32
        scf.yield %scan3A_78 : i32
      }
      %scan3A_26 = arith.constant 2048 : i32
      %mul3A_27 = arith.constant 32 : i32
      %mul3A_28 = arith.muli %add3A_11, %mul3A_27 : i32
      "tpu.region"() ({
        %run_scoped3A = tpu.sem_alloc : memref<!tpu.dma_semaphore, #tpu.memory_space<semaphore_mem>>
        %dma_start3A_30 = arith.constant 0 : i32
        %dma_start3A_31 = tpu.memref_slice %arg4[%mul3A_28, %dma_start3A_30] : memref<2048x1024xf32, #tpu.memory_space<hbm>> -> memref<32x1024xf32, #tpu.memory_space<hbm>>
        %dma_start3A_32 = arith.constant 0 : i32
        %dma_start3A_33 = tpu.memref_slice %arg4[%mul3A_28, %dma_start3A_32] : memref<2048x1024xf32, #tpu.memory_space<hbm>> -> memref<32x1024xf32, #tpu.memory_space<hbm>>
        tpu.enqueue_dma source(%arg7 : memref<32x1024xf32, #tpu.memory_space<vmem>>) target(%dma_start3A_33 : memref<32x1024xf32, #tpu.memory_space<hbm>>) target_semaphore(%run_scoped3A : memref<!tpu.dma_semaphore, #tpu.memory_space<semaphore_mem>>)
        %dma_wait3A_34 = arith.constant 0 : i32
        %dma_wait3A_35 = tpu.memref_slice %arg4[%mul3A_28, %dma_wait3A_34] : memref<2048x1024xf32, #tpu.memory_space<hbm>> -> memref<32x1024xf32, #tpu.memory_space<hbm>>
        %dma_wait3A_36 = arith.constant 0 : i32
        %dma_wait3A_37 = tpu.memref_slice %arg4[%mul3A_28, %dma_wait3A_36] : memref<2048x1024xf32, #tpu.memory_space<hbm>> -> memref<32x1024xf32, #tpu.memory_space<hbm>>
        tpu.wait_dma2 semaphore(%run_scoped3A : memref<!tpu.dma_semaphore, #tpu.memory_space<semaphore_mem>>) src(%arg7 : memref<32x1024xf32, #tpu.memory_space<vmem>>) dst(%dma_wait3A_37 : memref<32x1024xf32, #tpu.memory_space<hbm>>)
        tpu.yield
      }) : () -> ()
      %scan3A_29 = arith.constant 0 : i32
      scf.yield %scan3A_29 : i32
    }
    %scan3A_6 = arith.constant 2 : i32
    return
  }
}

#map = affine_map<(d0, d1) -> (0, 0)>
#map1 = affine_map<(d0, d1) -> (0)>
module attributes {stable_mosaic.version = 14 : i64} {
  func.func @_dispatch(%arg0: i32, %arg1: i32, %arg2: memref<2048x1024xf32, #tpu.memory_space<hbm>>, %arg3: memref<4672xi32, #tpu.memory_space<hbm>>, %arg4: memref<4672x1024xf32, #tpu.memory_space<hbm>>, %arg5: memref<32xi32, #tpu.memory_space<vmem>>, %arg6: memref<32x1024xf32, #tpu.memory_space<vmem>>, %arg7: memref<!tpu.dma_semaphore, #tpu.memory_space<semaphore_mem>>) attributes {dimension_semantics = [#tpu.dimension_semantics<core_parallel>, #tpu.dimension_semantics<subcore_parallel>], iteration_bounds = array<i64: 2, 16>, scalar_prefetch = 0 : i64, scratch_operands = 3 : i64, tpu.core_type = #tpu.core_type<sc_vector_subcore>, window_params = [{transform_indices = #map}, {transform_indices = #map1}, {transform_indices = #map}]} {
    %mul3A = arith.constant 2 : i32
    %mul3A_0 = arith.muli %arg1, %mul3A : i32
    %add3A = arith.addi %mul3A_0, %arg0 : i32
    %scan3A = arith.constant 0 : i32
    %scan3A_1 = arith.constant 0 : i32
    %scan3A_2 = arith.constant 5 : i32
    %scan3A_3 = arith.addi %scan3A_1, %scan3A_2 : i32
    %scan3A_4 = arith.constant 1 : i32
    %scan3A_5 = scf.for %scan3A_7 = %scan3A_1 to %scan3A_3 step %scan3A_4 iter_args(%scan3A_8 = %scan3A) -> (i32)  : i32 {
      %mul3A_9 = arith.constant 32 : i32
      %mul3A_10 = arith.muli %scan3A_7, %mul3A_9 : i32
      %add3A_11 = arith.addi %add3A, %mul3A_10 : i32
      %lt3A = arith.constant 146 : i32
      %lt3A_12 = arith.cmpi slt, %add3A_11, %lt3A : i32
      %convert_element_type3A = arith.extui %lt3A_12 : i1 to i32
      %cond3A = arith.constant 0 : i32
      %cond3A_13 = arith.cmpi ne, %convert_element_type3A, %cond3A : i32
      scf.if %cond3A_13 {
        %mul3A_15 = arith.constant 32 : i32
        %mul3A_16 = arith.muli %add3A_11, %mul3A_15 : i32
        "tpu.region"() ({
          %run_scoped3A = tpu.sem_alloc : memref<!tpu.dma_semaphore, #tpu.memory_space<semaphore_mem>>
          %dma_start3A_21 = tpu.memref_slice %arg3[%mul3A_16] : memref<4672xi32, #tpu.memory_space<hbm>> -> memref<32xi32, #tpu.memory_space<hbm>>
          %dma_start3A_22 = tpu.memref_slice %arg3[%mul3A_16] : memref<4672xi32, #tpu.memory_space<hbm>> -> memref<32xi32, #tpu.memory_space<hbm>>
          tpu.enqueue_dma source(%dma_start3A_22 : memref<32xi32, #tpu.memory_space<hbm>>) target(%arg5 : memref<32xi32, #tpu.memory_space<vmem>>) target_semaphore(%run_scoped3A : memref<!tpu.dma_semaphore, #tpu.memory_space<semaphore_mem>>)
          %dma_wait3A_23 = tpu.memref_slice %arg3[%mul3A_16] : memref<4672xi32, #tpu.memory_space<hbm>> -> memref<32xi32, #tpu.memory_space<hbm>>
          %dma_wait3A_24 = tpu.memref_slice %arg3[%mul3A_16] : memref<4672xi32, #tpu.memory_space<hbm>> -> memref<32xi32, #tpu.memory_space<hbm>>
          tpu.wait_dma2 semaphore(%run_scoped3A : memref<!tpu.dma_semaphore, #tpu.memory_space<semaphore_mem>>) src(%dma_wait3A_24 : memref<32xi32, #tpu.memory_space<hbm>>) dst(%arg5 : memref<32xi32, #tpu.memory_space<vmem>>)
          tpu.yield
        }) : () -> ()
        %dma_start3A = arith.constant 0 : i32
        %dma_start3A_17 = arith.constant 0 : i32
        %dma_start3A_18 = tpu.memref_slice %arg2[%dma_start3A, %dma_start3A_17] : memref<2048x1024xf32, #tpu.memory_space<hbm>> -> memref<2048x1024xf32, #tpu.memory_space<hbm>>
        tpu.enqueue_indirect_dma source(%dma_start3A_18 : memref<2048x1024xf32, #tpu.memory_space<hbm>>) target(%arg6 : memref<32x1024xf32, #tpu.memory_space<vmem>>) offsets(%arg5 : memref<32xi32, #tpu.memory_space<vmem>>) semaphore(%arg7 : memref<!tpu.dma_semaphore, #tpu.memory_space<semaphore_mem>>)
        %dma_wait3A = arith.constant 0 : i32
        %dma_wait3A_19 = arith.constant 0 : i32
        %dma_wait3A_20 = tpu.memref_slice %arg2[%dma_wait3A, %dma_wait3A_19] : memref<2048x1024xf32, #tpu.memory_space<hbm>> -> memref<2048x1024xf32, #tpu.memory_space<hbm>>
        tpu.wait_indirect_dma semaphore(%arg7 : memref<!tpu.dma_semaphore, #tpu.memory_space<semaphore_mem>>) src(%dma_wait3A_20 : memref<2048x1024xf32, #tpu.memory_space<hbm>>) dst(%arg6 : memref<32x1024xf32, #tpu.memory_space<vmem>>)
        "tpu.region"() ({
          %run_scoped3A = tpu.sem_alloc : memref<!tpu.dma_semaphore, #tpu.memory_space<semaphore_mem>>
          %dma_start3A_21 = arith.constant 0 : i32
          %dma_start3A_22 = tpu.memref_slice %arg4[%mul3A_16, %dma_start3A_21] : memref<4672x1024xf32, #tpu.memory_space<hbm>> -> memref<32x1024xf32, #tpu.memory_space<hbm>>
          %dma_start3A_23 = arith.constant 0 : i32
          %dma_start3A_24 = tpu.memref_slice %arg4[%mul3A_16, %dma_start3A_23] : memref<4672x1024xf32, #tpu.memory_space<hbm>> -> memref<32x1024xf32, #tpu.memory_space<hbm>>
          tpu.enqueue_dma source(%arg6 : memref<32x1024xf32, #tpu.memory_space<vmem>>) target(%dma_start3A_24 : memref<32x1024xf32, #tpu.memory_space<hbm>>) target_semaphore(%run_scoped3A : memref<!tpu.dma_semaphore, #tpu.memory_space<semaphore_mem>>)
          %dma_wait3A_25 = arith.constant 0 : i32
          %dma_wait3A_26 = tpu.memref_slice %arg4[%mul3A_16, %dma_wait3A_25] : memref<4672x1024xf32, #tpu.memory_space<hbm>> -> memref<32x1024xf32, #tpu.memory_space<hbm>>
          %dma_wait3A_27 = arith.constant 0 : i32
          %dma_wait3A_28 = tpu.memref_slice %arg4[%mul3A_16, %dma_wait3A_27] : memref<4672x1024xf32, #tpu.memory_space<hbm>> -> memref<32x1024xf32, #tpu.memory_space<hbm>>
          tpu.wait_dma2 semaphore(%run_scoped3A : memref<!tpu.dma_semaphore, #tpu.memory_space<semaphore_mem>>) src(%arg6 : memref<32x1024xf32, #tpu.memory_space<vmem>>) dst(%dma_wait3A_28 : memref<32x1024xf32, #tpu.memory_space<hbm>>)
          tpu.yield
        }) : () -> ()
      } else {
      }
      %scan3A_14 = arith.constant 0 : i32
      scf.yield %scan3A_14 : i32
    }
    %scan3A_6 = arith.constant 5 : i32
    return
  }
}

module attributes {stable_mosaic.version = 14 : i64} {
  func.func @_gemm_body(%arg0: i32, %arg1: i32, %arg2: memref<16xi32, #tpu.memory_space<smem>>, %arg3: memref<16xi32, #tpu.memory_space<smem>>, %arg4: memref<16xi32, #tpu.memory_space<smem>>, %arg5: memref<16xi32, #tpu.memory_space<smem>>, %arg6: memref<4672x1024xf32, #tpu.memory_space<vmem>>, %arg7: memref<4672x1xf32, #tpu.memory_space<vmem>>, %arg8: memref<1x512x1024xf32, #tpu.memory_space<vmem>>, %arg9: memref<1x512x1024xf32, #tpu.memory_space<vmem>>, %arg10: memref<1x1024x512xf32, #tpu.memory_space<vmem>>, %arg11: memref<4672x1024xf32, #tpu.memory_space<vmem>>) attributes {dimension_semantics = [#tpu.dimension_semantics<arbitrary>, #tpu.dimension_semantics<arbitrary>], iteration_bounds = array<i64: 4, 16>, scalar_prefetch = 4 : i64, scratch_operands = 0 : i64, tpu.core_type = #tpu.core_type<tc>, window_params = [{pipeline_mode = #tpu.pipeline_mode<synchronous>, transform_indices = @transform_0, window_bounds = array<i64: 4672, 1024>}, {pipeline_mode = #tpu.pipeline_mode<synchronous>, transform_indices = @transform_1, window_bounds = array<i64: 4672, 1>}, {transform_indices = @transform_2, window_bounds = array<i64: 1, 512, 1024>}, {transform_indices = @transform_3, window_bounds = array<i64: 1, 512, 1024>}, {transform_indices = @transform_4, window_bounds = array<i64: 1, 1024, 512>}, {pipeline_mode = #tpu.pipeline_mode<synchronous>, transform_indices = @transform_5, window_bounds = array<i64: 4672, 1024>}]} {
    %eq3A = arith.constant 0 : i32
    %eq3A_0 = arith.cmpi eq, %arg0, %eq3A : i32
    %eq3A_1 = arith.constant 0 : i32
    %eq3A_2 = arith.cmpi eq, %arg1, %eq3A_1 : i32
    %and3A = arith.andi %eq3A_0, %eq3A_2 : i1
    %convert_element_type3A = arith.extui %and3A : i1 to i32
    %cond3A = arith.constant 0 : i32
    %cond3A_3 = arith.cmpi ne, %convert_element_type3A, %cond3A : i32
    scf.if %cond3A_3 {
      %broadcast_in_dim3A = arith.constant 0.000000e+00 : f32
      %broadcast_in_dim3A_10 = vector.broadcast %broadcast_in_dim3A : f32 to vector<4672x1024xf32>
      %swap3A = arith.constant 0 : index
      %swap3A_11 = arith.constant 0 : index
      %swap3A_12 = vector.load %arg11[%swap3A, %swap3A_11] : memref<4672x1024xf32, #tpu.memory_space<vmem>>, vector<4672x1024xf32>
      tpu.vector_store %arg11[%swap3A, %swap3A_11], %broadcast_in_dim3A_10 {strides = array<i32>} : memref<4672x1024xf32, #tpu.memory_space<vmem>>, vector<4672x1024xf32>,
    } else {
    }
    %get3A = arith.index_cast %arg1 : i32 to index
    %get3A_4 = memref.load %arg4[%get3A] : memref<16xi32, #tpu.memory_space<smem>>
    %eq3A_5 = arith.constant 1 : i32
    %eq3A_6 = arith.cmpi eq, %get3A_4, %eq3A_5 : i32
    %convert_element_type3A_7 = arith.extui %eq3A_6 : i1 to i32
    %cond3A_8 = arith.constant 0 : i32
    %cond3A_9 = arith.cmpi ne, %convert_element_type3A_7, %cond3A_8 : i32
    scf.if %cond3A_9 {
      %get3A_10 = arith.index_cast %arg1 : i32 to index
      %get3A_11 = memref.load %arg2[%get3A_10] : memref<16xi32, #tpu.memory_space<smem>>
      %multiple_of3A = tpu.assume_multiple %get3A_11, 8 : i32
      %get3A_12 = arith.index_cast %multiple_of3A : i32 to index
      %get3A_13 = arith.constant 0 : index
      %get3A_14 = vector.load %arg6[%get3A_12, %get3A_13] : memref<4672x1024xf32, #tpu.memory_space<vmem>>, vector<512x1024xf32>
      %get3A_15 = arith.constant 0 : index
      %get3A_16 = arith.constant 0 : index
      %get3A_17 = arith.constant 0 : index
      %get3A_18 = vector.load %arg8[%get3A_15, %get3A_16, %get3A_17] : memref<1x512x1024xf32, #tpu.memory_space<vmem>>, vector<1x512x1024xf32>
      %get3A_19 = vector.shape_cast %get3A_18 : vector<1x512x1024xf32> to vector<512x1024xf32>
      %dot_general3A = arith.constant dense<0.000000e+00> : vector<512x512xf32>
      %dot_general3A_20 = tpu.matmul %get3A_14, %get3A_19, %dot_general3A {dimension_numbers = #tpu.dot_dimension_numbers<[1], [1], [0], [0], [0, 0, 1, 0], [], []>, transpose_lhs_hint = false} : vector<512x1024xf32>, vector<512x1024xf32>, vector<512x512xf32> -> vector<512x512xf32>
      %get3A_21 = arith.constant 0 : index
      %get3A_22 = arith.constant 0 : index
      %get3A_23 = arith.constant 0 : index
      %get3A_24 = vector.load %arg9[%get3A_21, %get3A_22, %get3A_23] : memref<1x512x1024xf32, #tpu.memory_space<vmem>>, vector<1x512x1024xf32>
      %get3A_25 = vector.shape_cast %get3A_24 : vector<1x512x1024xf32> to vector<512x1024xf32>
      %dot_general3A_26 = arith.constant dense<0.000000e+00> : vector<512x512xf32>
      %dot_general3A_27 = tpu.matmul %get3A_14, %get3A_25, %dot_general3A_26 {dimension_numbers = #tpu.dot_dimension_numbers<[1], [1], [0], [0], [0, 0, 1, 0], [], []>, transpose_lhs_hint = false} : vector<512x1024xf32>, vector<512x1024xf32>, vector<512x512xf32> -> vector<512x512xf32>
      %logistic3A = arith.negf %dot_general3A_20 : vector<512x512xf32>
      %logistic3A_28 = math.exp %logistic3A : vector<512x512xf32>
      %logistic3A_29 = arith.constant 1.000000e+00 : f32
      %logistic3A_30 = vector.broadcast %logistic3A_29 : f32 to vector<512x512xf32>
      %logistic3A_31 = arith.addf %logistic3A_30, %logistic3A_28 : vector<512x512xf32>
      %logistic3A_32 = arith.divf %logistic3A_30, %logistic3A_31 : vector<512x512xf32>
      %mul3A = arith.mulf %dot_general3A_20, %logistic3A_32 : vector<512x512xf32>
      %mul3A_33 = arith.mulf %mul3A, %dot_general3A_27 : vector<512x512xf32>
      %iota3A = tpu.iota {dimensions = array<i32: 0>} : vector<512x1xi32>
      %add3A = vector.broadcast %multiple_of3A : i32 to vector<512x1xi32>
      %add3A_34 = arith.addi %add3A, %iota3A : vector<512x1xi32>
      %get3A_35 = arith.index_cast %arg1 : i32 to index
      %get3A_36 = memref.load %arg5[%get3A_35] : memref<16xi32, #tpu.memory_space<smem>>
      %lt3A = vector.broadcast %get3A_36 : i32 to vector<512x1xi32>
      %lt3A_37 = arith.cmpi slt, %add3A_34, %lt3A : vector<512x1xi32>
      %get3A_38 = arith.index_cast %multiple_of3A : i32 to index
      %get3A_39 = arith.constant 0 : index
      %get3A_40 = vector.load %arg7[%get3A_38, %get3A_39] : memref<4672x1xf32, #tpu.memory_space<vmem>>, vector<512x1xf32>
      %jit3A = arith.constant 0.000000e+00 : f32
      %broadcast_in_dim3A = vector.broadcast %jit3A : f32 to vector<512x1xf32>
      %select_n3A = arith.select %lt3A_37, %get3A_40, %broadcast_in_dim3A : vector<512x1xi1>, vector<512x1xf32>
      %mul3A_41 = vector.broadcast %select_n3A : vector<512x1xf32> to vector<512x512xf32>
      %mul3A_42 = arith.mulf %mul3A_33, %mul3A_41 : vector<512x512xf32>
      %get3A_43 = arith.constant 0 : index
      %get3A_44 = arith.constant 0 : index
      %get3A_45 = arith.constant 0 : index
      %get3A_46 = vector.load %arg10[%get3A_43, %get3A_44, %get3A_45] : memref<1x1024x512xf32, #tpu.memory_space<vmem>>, vector<1x1024x512xf32>
      %get3A_47 = vector.shape_cast %get3A_46 : vector<1x1024x512xf32> to vector<1024x512xf32>
      %dot_general3A_48 = arith.constant dense<0.000000e+00> : vector<512x1024xf32>
      %dot_general3A_49 = tpu.matmul %mul3A_42, %get3A_47, %dot_general3A_48 {dimension_numbers = #tpu.dot_dimension_numbers<[1], [1], [0], [0], [0, 0, 1, 0], [], []>, transpose_lhs_hint = false} : vector<512x512xf32>, vector<1024x512xf32>, vector<512x1024xf32> -> vector<512x1024xf32>
      %get3A_50 = arith.index_cast %multiple_of3A : i32 to index
      %get3A_51 = arith.constant 0 : index
      %get3A_52 = vector.load %arg11[%get3A_50, %get3A_51] : memref<4672x1024xf32, #tpu.memory_space<vmem>>, vector<512x1024xf32>
      %add3A_53 = arith.addf %get3A_52, %dot_general3A_49 : vector<512x1024xf32>
      %swap3A = arith.index_cast %multiple_of3A : i32 to index
      %swap3A_54 = arith.constant 0 : index
      %swap3A_55 = vector.load %arg11[%swap3A, %swap3A_54] : memref<4672x1024xf32, #tpu.memory_space<vmem>>, vector<512x1024xf32>
      tpu.vector_store %arg11[%swap3A, %swap3A_54], %add3A_53 {strides = array<i32>} : memref<4672x1024xf32, #tpu.memory_space<vmem>>, vector<512x1024xf32>,
    } else {
    }
    return
  }
  func.func @transform_0(%arg0: i32, %arg1: i32, %arg2: memref<16xi32, #tpu.memory_space<smem>>, %arg3: memref<16xi32, #tpu.memory_space<smem>>, %arg4: memref<16xi32, #tpu.memory_space<smem>>, %arg5: memref<16xi32, #tpu.memory_space<smem>>) -> (i32, i32) {
    %c0_i32 = arith.constant 0 : i32
    %c0_i32_0 = arith.constant 0 : i32
    %c0_i32_1 = arith.constant 0 : i32
    return %c0_i32, %c0_i32_0 : i32, i32
  }
  func.func @transform_1(%arg0: i32, %arg1: i32, %arg2: memref<16xi32, #tpu.memory_space<smem>>, %arg3: memref<16xi32, #tpu.memory_space<smem>>, %arg4: memref<16xi32, #tpu.memory_space<smem>>, %arg5: memref<16xi32, #tpu.memory_space<smem>>) -> (i32, i32) {
    %c0_i32 = arith.constant 0 : i32
    %c0_i32_0 = arith.constant 0 : i32
    %c0_i32_1 = arith.constant 0 : i32
    return %c0_i32, %c0_i32_0 : i32, i32
  }
  func.func @transform_2(%arg0: i32, %arg1: i32, %arg2: memref<16xi32, #tpu.memory_space<smem>>, %arg3: memref<16xi32, #tpu.memory_space<smem>>, %arg4: memref<16xi32, #tpu.memory_space<smem>>, %arg5: memref<16xi32, #tpu.memory_space<smem>>) -> (i32, i32, i32) {
    %get3A = arith.index_cast %arg1 : i32 to index
    %get3A_0 = memref.load %arg3[%get3A] : memref<16xi32, #tpu.memory_space<smem>>
    %c0_i32 = arith.constant 0 : i32
    %c0_i32_1 = arith.constant 0 : i32
    return %get3A_0, %arg0, %c0_i32 : i32, i32, i32
  }
  func.func @transform_3(%arg0: i32, %arg1: i32, %arg2: memref<16xi32, #tpu.memory_space<smem>>, %arg3: memref<16xi32, #tpu.memory_space<smem>>, %arg4: memref<16xi32, #tpu.memory_space<smem>>, %arg5: memref<16xi32, #tpu.memory_space<smem>>) -> (i32, i32, i32) {
    %get3A = arith.index_cast %arg1 : i32 to index
    %get3A_0 = memref.load %arg3[%get3A] : memref<16xi32, #tpu.memory_space<smem>>
    %c0_i32 = arith.constant 0 : i32
    %c0_i32_1 = arith.constant 0 : i32
    return %get3A_0, %arg0, %c0_i32 : i32, i32, i32
  }
  func.func @transform_4(%arg0: i32, %arg1: i32, %arg2: memref<16xi32, #tpu.memory_space<smem>>, %arg3: memref<16xi32, #tpu.memory_space<smem>>, %arg4: memref<16xi32, #tpu.memory_space<smem>>, %arg5: memref<16xi32, #tpu.memory_space<smem>>) -> (i32, i32, i32) {
    %get3A = arith.index_cast %arg1 : i32 to index
    %get3A_0 = memref.load %arg3[%get3A] : memref<16xi32, #tpu.memory_space<smem>>
    %c0_i32 = arith.constant 0 : i32
    %c0_i32_1 = arith.constant 0 : i32
    return %get3A_0, %c0_i32, %arg0 : i32, i32, i32
  }
  func.func @transform_5(%arg0: i32, %arg1: i32, %arg2: memref<16xi32, #tpu.memory_space<smem>>, %arg3: memref<16xi32, #tpu.memory_space<smem>>, %arg4: memref<16xi32, #tpu.memory_space<smem>>, %arg5: memref<16xi32, #tpu.memory_space<smem>>) -> (i32, i32) {
    %c0_i32 = arith.constant 0 : i32
    %c0_i32_0 = arith.constant 0 : i32
    %c0_i32_1 = arith.constant 0 : i32
    return %c0_i32, %c0_i32_0 : i32, i32
  }
}

</mosaic_0001>

<sc_bundles>
// kernel: kernel.5.cloned.1.call-start
scs
__scs_entry_jumppad:
0x0: {  	(pc) =	sbr.rel $0x88, $3  }
0x1: {  	(tag) =	ssettag $0x0;
	lr =	simm.s32 $0x1  }
0x2: {  	[smem:$0x3F99] =	sst lr;
	_ =	strace $0xD0000000  }
0x3: {  	_ = 	snop  }
0x4: {  	_ = 	snop  }
0x5: {  	_ = 	snop  }
0x6: {  	_ = 	snop  }
0x7: {  	_ = 	snop  }
__scs_overlays_trampoline_lowered:
0x8: {  	[smem:$0x3FA8] =	sst s0  }
0x9: {  	[smem:$0x3FA9] =	sst s1  }
0xa: {  	[smem:$0x3FAA] =	sst s2  }
0xb: {  	[smem:$0x3FAB] =	sst s3  }
0xc: {  	[smem:$0x3FAC] =	sst s4  }
0xd: {  	[smem:$0x3FAD] =	sst s5  }
0xe: {  	[smem:$0x3FAE] =	sst s6  }
0xf: {  	[smem:$0x3FAF] =	sst s7  }
0x10: {  	[smem:$0x3FB0] =	sst s8  }
0x11: {  	[smem:$0x3FB1] =	sst s9;
	s0 =	simm.s32 @!p0 $0x0  }
0x12: {  	s1 =	sld [smem:$0x3F97];
	s0 =	simm.s32 @p0 $0x1  }
0x13: {  	[smem:$0x3FB2] =	sst s0;
	s0 =	simm.s32 @!p1 $0x0  }
0x14: {  	s2 =	sld [smem:$0x3F96];
	s0 =	simm.s32 @p1 $0x1  }
0x15: {  	[smem:$0x3FB3] =	sst s0;
	s0 =	simm.s32 @!p2 $0x0  }
0x16: {  	s3 =	sld [smem:$0x3FDB];
	s0 =	simm.s32 @p2 $0x1  }
0x17: {  	s4 =	simm.s32 $0x1BF5;
	[smem:$0x3FB5] =	sst s0  }
0x18: {  	s0 =	sld [smem:$0x3F98];
	_ =	swait.ge [sflag:s4], $0x0  }
0x19: {  	s7 =	sld [smem:$0x3F99]  }
0x1a: {  	s8 =	sadd.s32 $0xFFFFE003, lr  }
0x1b: {  	s9 =	sadd.s32 $0xFFFFFEF7, lr;
	s5 =	simm.s32 $0xFFFFFFFF;
	p2 =	slt.u32 s8, $0xFFFFF086  }
0x1c: {  	p1 =	slt.u32 s9, $0xF7A;
	s5 =	simm.s32 @!p2 $0x0  }
0x1d: {  	s5 =	simm.s32 @p1 $0x1;
	p0 =	seq.s32 s7, s2  }
0x1e: {  	s7 =	smul.u32 @!p0 $0xF7A, s2;
	p2 =	seq.s32 @!p0 s5, $0x0  }
0x1f: {  	s9 =	smul.u32 $0xF7A, s1;
	s8 =	simm.s32 @!p0 $0x1BF5;
	p2 =	por !p2, p0  }
0x20: {  	[sflag:s8] =	ssyncset.s32 @!p0 $0xFFFFF086;
	s6 =	sadd.s32 @!p0 s3, s7;
	s7 =	simm.s32 @!p0 $0x108  }
0x21: {  	s3 =	sadd.s32 s3, s9;
	s6 =	sadd.s32 @!p0 $0x88, s6;
	s7 =	simm.s32 @p2 $0x1082  }
0x22: {  	[simem:s7], [sflag:s8] =	dma.local @!p0 [hbm:s6], $0xF7A  }
0x23: {  	s9 =	sor.u32 $0xD0000000, s2;
	s6 =	simm.s32 $0x108;
	_ =	swait.ge @!p0 [sflag:s8], $0x0  }
0x24: {  	s3 =	sadd.s32 $0x88, s3;
	s6 =	simm.s32 @!p1 $0x1082;
	[sflag:s4] =	ssyncset.s32 $0xFFFFF086  }
0x25: {  	[simem:s6], [sflag:s4] =	dma.local [hbm:s3], $0xF7A  }
0x26: {  	[smem:$0x3F99] =	sst s1;
	(tag) =	ssettag s2;
	_ =	strace s9  }
0x27: {  	s1 =	sld [smem:$0x3FA9]  }
0x28: {  	s2 =	sld [smem:$0x3FAA]  }
0x29: {  	s4 =	sld [smem:$0x3FAC]  }
0x2a: {  	p0 =	seq.s32 s5, $0x0;
	s5 =	sld [smem:$0x3FAD]  }
0x2b: {  	s6 =	sld [smem:$0x3FAE]  }
0x2c: {  	s7 =	sld [smem:$0x3FAF]  }
0x2d: {  	s3 =	simm.s32 $0x108;
	s8 =	sld [smem:$0x3FB0]  }
0x2e: {  	s3 =	simm.s32 @!p0 $0x1082;
	s9 =	sld [smem:$0x3FB1]  }
0x2f: {  	lr =	sadd.s32 s0, s3;
	s0 =	sld [smem:$0x3FA8]  }
0x30: {  	s3 =	sld [smem:$0x3FAB]  }
0x31: {  	[smem:$0x3FB4] =	sst s10  }
0x32: {  	s10 =	sld [smem:$0x3FB2];
	_ =	sdelay $0x3  }
0x33: {  	p0 =	seq.s32 s10, $0x1;
	s10 =	sld [smem:$0x3FB4];
	_ =	sdelay $0x3  }
0x34: {  	[smem:$0x3FB4] =	sst s10  }
0x35: {  	s10 =	sld [smem:$0x3FB3];
	_ =	sdelay $0x3  }
0x36: {  	p1 =	seq.s32 s10, $0x1;
	s10 =	sld [smem:$0x3FB4];
	_ =	sdelay $0x3  }
0x37: {  	[smem:$0x3FB4] =	sst s10  }
0x38: {  	s10 =	sld [smem:$0x3FB5]  }
0x39: {  	_ = 	snop;
	(pc) =	sbr.ind lr, $3  }
0x3a: {  	_ = 	snop  }
0x3b: {  	_ = 	snop  }
0x3c: {  	p2 =	seq.s32 s10, $0x1;
	s10 =	sld [smem:$0x3FB4]  }
0x3d: {  	_ =	shalt  }
0x3e: {  	_ =	shalt  }
0x3f: {  	_ =	shalt  }
0x40: {  	_ =	shalt  }
0x41: {  	_ =	shalt  }
0x42: {  	_ =	shalt  }
0x43: {  	_ =	shalt  }
0x44: {  	_ =	shalt  }
0x45: {  	_ =	shalt  }
0x46: {  	_ =	shalt  }
0x47: {  	_ =	shalt  }
0x48: {  	_ =	shalt  }
0x49: {  	_ =	shalt  }
0x4a: {  	_ =	shalt  }
0x4b: {  	_ =	shalt  }
0x4c: {  	_ =	shalt  }
0x4d: {  	_ =	shalt  }
0x4e: {  	_ =	shalt  }
0x4f: {  	_ =	shalt  }
0x50: {  	_ =	shalt  }
0x51: {  	_ =	shalt  }
0x52: {  	_ =	shalt  }
0x53: {  	_ =	shalt  }
0x54: {  	_ =	shalt  }
0x55: {  	_ =	shalt  }
0x56: {  	_ =	shalt  }
0x57: {  	_ =	shalt  }
0x58: {  	_ =	shalt  }
0x59: {  	_ =	shalt  }
0x5a: {  	_ =	shalt  }
0x5b: {  	_ =	shalt  }
0x5c: {  	_ =	shalt  }
0x5d: {  	_ =	shalt  }
0x5e: {  	_ =	shalt  }
0x5f: {  	_ =	shalt  }
0x60: {  	_ =	shalt  }
0x61: {  	_ =	shalt  }
0x62: {  	_ =	shalt  }
0x63: {  	_ =	shalt  }
0x64: {  	_ =	shalt  }
0x65: {  	_ =	shalt  }
0x66: {  	_ =	shalt  }
0x67: {  	_ =	shalt  }
0x68: {  	_ =	shalt  }
0x69: {  	_ =	shalt  }
0x6a: {  	_ =	shalt  }
0x6b: {  	_ =	shalt  }
0x6c: {  	_ =	shalt  }
0x6d: {  	_ =	shalt  }
0x6e: {  	_ =	shalt  }
0x6f: {  	_ =	shalt  }
0x70: {  	_ =	shalt  }
0x71: {  	_ =	shalt  }
0x72: {  	_ =	shalt  }
0x73: {  	_ =	shalt  }
0x74: {  	_ =	shalt  }
0x75: {  	_ =	shalt  }
0x76: {  	_ =	shalt  }
0x77: {  	_ =	shalt  }
0x78: {  	_ =	shalt  }
0x79: {  	_ =	shalt  }
0x7a: {  	_ =	shalt  }
0x7b: {  	_ =	shalt  }
0x7c: {  	_ =	shalt  }
0x7d: {  	_ =	shalt  }
0x7e: {  	_ =	shalt  }
0x7f: {  	_ =	shalt  }
0x80: {  	_ =	shalt  }
0x81: {  	_ =	shalt  }
0x82: {  	_ =	shalt  }
0x83: {  	_ =	shalt  }
0x84: {  	_ =	shalt  }
0x85: {  	_ =	shalt  }
0x86: {  	_ =	shalt  }
0x87: {  	_ =	shalt  }
.Lfunc_end0:
.L_simem_size_0:
called_computation_lowered:
.L_overlay_start_0:
0x88: {  	s2 =	sld [smem:$0x3FD9]  }
0x89: {  	s3 =	sld [smem:$0x3FFE];
	_ =	sdelay $0x1  }
0x8a: {  	s1 =	srdreg.scid  }
0x8b: {  	s0 =	sand.u32 $0x1, s1  }
0x8c: {  	s17 =	sshll.u32 s0, $0xA;
	s2 =	sadd.s32 s3, s2  }
0x8d: {  	s2 =	sadd.s32 s2, s17  }
0x8e: {  	[smem:$0x3FC0] =	sst s2  }
0x8f: {  	_ = 	snop  }
0x90: {  	s2 =	sld [smem:$0x3FC9]  }
0x91: {  	s18 =	sld [smem:$0x3FD0];
	(tm) =	ssettm $0x1  }
0x92: {  	s4 =	sld [smem:$0x3FFB];
	_ =	sdelay $0x3  }
0x93: {  	_ =	strace s4  }
0x94: {  	s4 =	sld [smem:$0x3FFC];
	_ =	sdelay $0x3  }
0x95: {  	_ =	strace s4  }
0x96: {  	s4 =	sld [smem:$0x3FFD];
	_ =	sdelay $0x3  }
0x97: {  	_ =	strace s4  }
0x98: {  	_ =	strace $0x8FFFFFFF  }
0x99: {  	s19 =	sld [smem:$0x3FDB];
	_ =	sdelay $0x1  }
0x9a: {  	s5 =	simm.s32 $_scs_section_size  }
0x9b: {  	s6 =	simm.s32 $_size__tile_overlayer_lowered;
	s7 =	simm.s32 $_tile_overlayer_lowered  }
0x9c: {  	s22 =	simm.s32 $0x1BFF;
	s21 =	sshll.u32 s7, $0x1;
	s4 =	sadd.s32 s5, s19  }
0x9d: {  	s8 =	simm.s32 $0x0;
	s20 =	sshll.u32 s6, $0x1;
	s6 =	sadd.s32 s21, s4  }
0x9e: {  	[timem:s8], [sflag:s22] =	dma.local [hbm:s6], s20  }
0x9f: {  	_ =	swait.ge [sflag:s22], s20  }
0xa0: {  	s5 =	ssub.s32 $0x0, s20;
	[sflag:s22] =	ssyncset.done $0x0  }
0xa1: {  	[sflag:s22] =	ssyncadd.s32 s5;
	_ =	sdelay $0x1  }
0xa2: {  	s23 =	simm.s32 $0x1B8B  }
0xa3: {  	_ =	swait.ge [sflag:s23], $0x1  }
0xa4: {  	[sflag:s23] =	ssyncset.done $0x0  }
0xa5: {  	s25 =	simm.s32 $0x1B8E;
	s24 =	sld [smem:$0x3FFE];
	[sflag:s23] =	ssyncadd.s32 $0xFFFFFFFF  }
0xa6: {  	s26 =	simm.s32 $execute0_lowered;
	[smem:$0x3FD2] =	sst s25  }
0xa7: {  	s6 =	sshll.u32 s26, $0x1;
	_ =	strace $0x80000046;
	[dreg:$0x1] =	wrdreg $0xFFFFFFFF  }
0xa8: {  	s28 =	simm.s32 $_size_execute0_lowered;
	s4 =	sadd.s32 s4, s6;
	[dreg:$0x0] =	wrdreg $0x0  }
0xa9: {  	s6 =	sshll.u32 s28, $0x1;
	[dreg:$0x2] =	wrdreg s4  }
0xaa: {  	[dreg:$0x3] =	wrdreg s6  }
0xab: {  	[dreg:$0x4] =	wrdreg $0xC0  }
0xac: {  	_ =	task [dreg:s8], $0x5FFFF  }
0xad: {  	[dreg:$0x1] =	wrdreg $0xFFFFFFFF  }
0xae: {  	[dreg:$0x0] =	wrdreg $0x60  }
0xaf: {  	[dreg:$0x2] =	wrdreg s2  }
0xb0: {  	[dreg:$0x3] =	wrdreg s18  }
0xb1: {  	[dreg:$0x4] =	wrdreg s24  }
0xb2: {  	[dreg:$0x5] =	wrdreg $0x9  }
0xb3: {  	_ =	task.clear_ibuf [dreg:s8], $0x6FFFF;
	_ =	strace $0x90000046  }
0xb4: {  	s29 =	simm.s32 $0x9;
	_ =	strace $0x80000048  }
0xb5: {  	_ =	swait.ge [sflag:s29], $0x1  }
0xb6: {  	[sflag:s29] =	ssyncadd.s32 $0xFFFFFFFF  }
0xb7: {  	_ =	strace $0x90000048  }
0xb8: {  	_ =	sfence  }
0xb9: {  	s30 =	sld [smem:$0x0];
	_ =	sdelay $0x2  }
0xba: {  	s31 =	sshll.u32 s1, $0xD;
	s1 =	sshrl.u32 s1, $0x2  }
0xbb: {  	s3 =	sand.u32 $0x4000, s31;
	s1 =	sadd.s32 s1, s30  }
0xbc: {  	s0 =	sor.u32 s3, s0;
	s1 =	sshll.u32 s1, $0x11  }
0xbd: {  	s0 =	sor.u32 s1, s0  }
0xbe: {  	s0 =	sadd.s32 $0x8F2B, s0  }
0xbf: {  	[sflag:s0] =	ssyncadd.remote.s32 $0x1  }
0xc0: {  	_ =	sfence.sel $0xFFFF  }
0xc1: {  	[dreg:$0x0] =	wrdreg $0xFFFFFFFF;
	(pc) =	sbr.abs _section_cstart, $3  }
0xc2: {  	[dreg:$0x1] =	wrdreg $0xFFFFFFFF  }
0xc3: {  	_ =	task.clear_ibuf [dreg:s8], $0x2FFFF;
	_ =	strace $0x9FFFFFFF  }
0xc4: {  	(tm) =	ssettm $0x7FFFFFFF  }
0xc5: {  	_ =	shalt  }
tec
execute0_lowered:
.L_overlay_start_1:
0x0: {  	(tag) =	ssettag $0x1  }
0x1: {  	s1 =	rddreg [dreg:$0x0]  }
0x2: {  	s0 =	rddreg [dreg:$0x1];
	s2 =	srdreg.scid  }
0x3: {  	s3 =	rddreg [dreg:$0x2];
	s10 =	stileid.u32;
	s11 =	simm.s32 $0x3  }
0x4: {  	s12 =	simm.s32 $0x80;
	s13 =	simm.s32 $0x880;
	s14 =	simm.s32 $0x1080  }
0x5: {  	s15 =	simm.s32 $0x1880;
	s16 =	simm.s32 $0x2080;
	s17 =	simm.s32 $0x2880  }
0x6: {  	s18 =	simm.s32 $0x3080;
	s19 =	simm.s32 $0x3880;
	s20 =	simm.s32 $0x4080  }
0x7: {  	s21 =	simm.s32 $0x4880;
	s22 =	simm.s32 $0x5080;
	s23 =	simm.s32 $0x5880  }
0x8: {  	s24 =	simm.s32 $0x6080;
	s28 =	simm.s32 $0x7880;
	s29 =	simm.s32 $0x1  }
0x9: {  	s30 =	simm.s32 $0x2;
	s31 =	simm.s32 $0x0;
	s8 =	sand.u32 $0x1, s2  }
0xa: {  	s2 =	simm.s32 $0x0;
	s6 =	sadd.s32 $0x200, s1;
	s7 =	sadd.s32 $0x300, s1  }
0xb: {  	s25 =	sshll.u32 s10, $0xD;
	s4 =	ssub.s32 $0x2, s8;
	[smem:$0x7FF] =	sst s2  }
0xc: {  	s3 =	sadd.s32 s25, s3;
	s26 =	sshll.u32 s8, $0xC;
	s8 =	sshll.u32 s8, $0x2  }
.Ltmp0:
0xd: {  	s25 =	simm.s32 $0x6880;
	s5 =	sshrl.u32 s4, $0x1;
	(pc) =	sbr.rel .LBB2_1-.Ltmp0, $4  }
0xe: {  	_ =	strace $0x80000047;
	s3 =	sadd.s32 s26, s3;
	s26 =	simm.s32 $0x7080  }
0xf: {  	v2 =	vlaneseq.u32;
	s9 =	ssub.s32 s4, s5;
	s4 =	sshll.u32 s10, $0x1;
	s10 =	sshll.u32 s10, $0x3  }
0x10: {  	vm0 =	vmmov $0xffff;
	v1 =	vshrl.u32 v2, $0x3;
	[dreg:$0x5] =	wrdreg s3;
	s9 =	smax.u32 s9, $0x1;
	s0 =	sadd.s32 s10, s0  }
0x11: {  	v0 =	vand.u32 $0x7, v2;
	v2 =	vor.u32 $0x8, v2;
	v1 =	vmul.u32 $0x8, v1;
	s5 =	sadd.s32 $0x100, s1;
	[dreg:$0x4] =	wrdreg s9;
	s0 =	sadd.s32 s8, s0  }
.LBB2_5:
0x12: {  	s31 =	sadd.s32 $0x1, s31;
	s3 =	rddreg [dreg:$0x4]  }
0x13: {  	p0 =	sne.s32 s31, s3  }
.Ltmp1:
0x14: {  	_ = 	snop;
	(pc) =	sbr.rel @!p0 .LBB2_6-.Ltmp1, $1  }
0x15: {  	_ =	sdelay $0x3  }
.LBB2_1:
.Ltmp2:
0x16: {  	(pc) =	sbr.rel .LBB2_2-.Ltmp2, $2  }
0x17: {  	_ =	sdelay $0x2  }
0x18: {  	s10 =	smov.u32 s0;
	s9 =	rddreg [dreg:$0x5];
	s8 =	simm.s32 $0x0  }
.LBB2_4:
0x19: {  	s8 =	sadd.s32 $0x20, s8  }
0x1a: {  	p0 =	sne.s32 s8, $0xA0  }
.Ltmp3:
0x1b: {  	_ = 	snop;
	(pc) =	sbr.rel @!p0 .LBB2_5-.Ltmp3, $2  }
0x1c: {  	_ =	sdelay $0x2  }
0x1d: {  	s9 =	sadd.s32 $0x20000, s9;
	s10 =	sadd.s32 $0x80, s10  }
.LBB2_2:
0x1e: {  	s3 =	sadd.s32 s8, s4  }
0x1f: {  	p0 =	sgt.u32 s3, $0x91  }
.Ltmp4:
0x20: {  	_ = 	snop;
	(pc) =	sbr.rel @p0 .LBB2_4-.Ltmp4, $1  }
0x21: {  	_ =	sdelay $0x3  }
0x22: {  	[tilespmem:s2], [sflag:$0x3] =	stream.linear.gather [hbm4b:s10+s2], $0x20, $0x38;
	[tilespmem:$0x8080] =	vst v63  }
0x23: {  	_ =	swait.ge [sflag:s11], $0x20  }
0x24: {  	[sflag:s11] =	ssyncset.done $0x0  }
0x25: {  	[sflag:s11] =	ssyncadd.s32 $0xFFFFFFE0  }
0x26: {  	v3 =	vld [tilespmem:$0x0];
	_ =	sdelay $0x4  }
0x27: {  	v4 =	vshll.u32 v3, $0x3  }
0x28: {  	v3 =	vand.u32 $0x7, v3;
	v4 =	vand.u32 $0xFFFFFFC0, v4  }
0x29: {  	v3 =	vor.u32 v3, v4  }
0x2a: {  	v4 =	vperm.xlane v3, v0;
	_ =	sdelay $0x1  }
0x2b: {  	v4 =	vadd.s32 v1, v4;
	_ =	sdelay $0x4  }
0x2c: {  	[tilespmem:s12], [sflag:$0x1] =	stream.indirect_vreg.gather [hbm4b:s1+s2], $0x80, v4, vm0, $0xb8;
	[tilespmem:$0x8080] =	vst v63  }
0x2d: {  	v3 =	vperm.xlane v3, v2  }
0x2e: {  	[tilespmem:s13], [sflag:$0x1] =	stream.indirect_vreg.gather [hbm4b:s5+s2], $0x80, v4, vm0, $0xb8;
	[tilespmem:$0x8080] =	vst v63  }
0x2f: {  	v3 =	vadd.s32 v1, v3  }
0x30: {  	[tilespmem:s14], [sflag:$0x1] =	stream.indirect_vreg.gather [hbm4b:s6+s2], $0x80, v4, vm0, $0xb8;
	[tilespmem:$0x8080] =	vst v63  }
0x31: {  	_ = 	snop  }
0x32: {  	[tilespmem:s15], [sflag:$0x1] =	stream.indirect_vreg.gather [hbm4b:s7+s2], $0x80, v4, vm0, $0xb8;
	[tilespmem:$0x8080] =	vst v63  }
0x33: {  	_ = 	snop  }
0x34: {  	[tilespmem:s16], [sflag:$0x1] =	stream.indirect_vreg.gather [hbm4b:s1+s2], $0x80, v3, vm0, $0xb8;
	[tilespmem:$0x8080] =	vst v63  }
0x35: {  	_ = 	snop  }
0x36: {  	[tilespmem:s17], [sflag:$0x1] =	stream.indirect_vreg.gather [hbm4b:s5+s2], $0x80, v3, vm0, $0xb8;
	[tilespmem:$0x8080] =	vst v63  }
0x37: {  	_ = 	snop  }
0x38: {  	[tilespmem:s18], [sflag:$0x1] =	stream.indirect_vreg.gather [hbm4b:s6+s2], $0x80, v3, vm0, $0xb8;
	[tilespmem:$0x8080] =	vst v63  }
0x39: {  	_ = 	snop  }
0x3a: {  	[tilespmem:s19], [sflag:$0x1] =	stream.indirect_vreg.gather [hbm4b:s7+s2], $0x80, v3, vm0, $0xb8;
	[tilespmem:$0x8080] =	vst v63  }
0x3b: {  	v3 =	vld [tilespmem:$0x10];
	_ =	sdelay $0x4  }
0x3c: {  	v63 =	vshll.u32 v3, $0x3  }
0x3d: {  	v3 =	vand.u32 $0x7, v3;
	v4 =	vand.u32 $0xFFFFFFC0, v63  }
0x3e: {  	v3 =	vor.u32 v3, v4  }
0x3f: {  	v4 =	vperm.xlane v3, v0;
	_ =	sdelay $0x1  }
0x40: {  	v4 =	vadd.s32 v1, v4;
	_ =	sdelay $0x4  }
0x41: {  	[tilespmem:s20], [sflag:$0x1] =	stream.indirect_vreg.gather [hbm4b:s1+s2], $0x80, v4, vm0, $0xb8;
	[tilespmem:$0x8080] =	vst v63  }
0x42: {  	v3 =	vperm.xlane v3, v2  }
0x43: {  	[tilespmem:s21], [sflag:$0x1] =	stream.indirect_vreg.gather [hbm4b:s5+s2], $0x80, v4, vm0, $0xb8;
	[tilespmem:$0x8080] =	vst v63  }
0x44: {  	v3 =	vadd.s32 v1, v3  }
0x45: {  	[tilespmem:s22], [sflag:$0x1] =	stream.indirect_vreg.gather [hbm4b:s6+s2], $0x80, v4, vm0, $0xb8;
	[tilespmem:$0x8080] =	vst v63  }
0x46: {  	_ = 	snop  }
0x47: {  	[tilespmem:s23], [sflag:$0x1] =	stream.indirect_vreg.gather [hbm4b:s7+s2], $0x80, v4, vm0, $0xb8;
	[tilespmem:$0x8080] =	vst v63  }
0x48: {  	_ = 	snop  }
0x49: {  	[tilespmem:s24], [sflag:$0x1] =	stream.indirect_vreg.gather [hbm4b:s1+s2], $0x80, v3, vm0, $0xb8;
	[tilespmem:$0x8080] =	vst v63  }
0x4a: {  	_ = 	snop  }
0x4b: {  	[tilespmem:s25], [sflag:$0x1] =	stream.indirect_vreg.gather [hbm4b:s5+s2], $0x80, v3, vm0, $0xb8;
	[tilespmem:$0x8080] =	vst v63  }
0x4c: {  	_ = 	snop  }
0x4d: {  	[tilespmem:s26], [sflag:$0x1] =	stream.indirect_vreg.gather [hbm4b:s6+s2], $0x80, v3, vm0, $0xb8;
	[tilespmem:$0x8080] =	vst v63  }
0x4e: {  	_ = 	snop  }
0x4f: {  	[tilespmem:s28], [sflag:$0x1] =	stream.indirect_vreg.gather [hbm4b:s7+s2], $0x80, v3, vm0, $0xb8;
	[tilespmem:$0x8080] =	vst v63  }
0x50: {  	_ =	swait.ge [sflag:s29], $0x8000  }
0x51: {  	[sflag:s29] =	ssyncset.done $0x0  }
.Ltmp5:
0x52: {  	[sflag:s29] =	ssyncadd.s32 $0xFFFF8000;
	(pc) =	sbr.rel .LBB2_4-.Ltmp5, $4  }
0x53: {  	[hbm4b:s9+s2] =	stream.linear.scatter [tilespmem:s12], [sflag:$0x2], $0x8000, $0x38;
	[tilespmem:$0x8080] =	vst v63  }
0x54: {  	_ =	swait.ge [sflag:s30], $0x8000  }
0x55: {  	[sflag:s30] =	ssyncset.done $0x0  }
0x56: {  	[sflag:s30] =	ssyncadd.s32 $0xFFFF8000  }
.LBB2_6:
0x57: {  	_ =	sfence.sel $0x180000  }
0x58: {  	[bflag:$0x0] =	sbarrier.arrive $0xFFFF  }
0x59: {  	_ =	strace $0x90000047  }
0x5a: {  	s0 =	stileid.u32;
	[bflag:$0x2] =	sbarrier.arrive $0xFFFF  }
0x5b: {  	p0 =	sne.s32 s0, $0x0;
	s0 =	rddreg [dreg:$0x3]  }
0x5c: {  	s0 =	sadd.s32 @!p0 $0x100000, s0  }
0x5d: {  	[sflag:s0] =	ssyncadd.tile.s32 @!p0 $0x1;
	_ =	shalt  }
.Lfunc_end2:
_tile_overlayer_lowered:
.L_overlay_start_2:
0x5e: {  	(tag) =	ssettag $0x2  }
0x5f: {  	s0 =	rddreg [dreg:$0x0];
	s2 =	stileid.u32  }
0x60: {  	s1 =	rddreg [dreg:$0x1];
	p0 =	sne.s32 s2, $0x0  }
0x61: {  	s3 =	rddreg [dreg:$0x2];
	[bflag:$0x3] =	sbarrier.arrive $0xFFFF;
	s2 =	simm.s32 @!p0 $0x1C02  }
0x62: {  	[timem:s3], [sflag:s2] =	dma.local @!p0 [hbm:s0], s1  }
0x63: {  	s0 =	simm.s32 @!p0 $0x2  }
0x64: {  	_ =	swait.ge @!p0 [sflag:s0], s1  }
0x65: {  	s1 =	ssub.s32 @!p0 $0x0, s1;
	[sflag:s0] =	ssyncset.done @!p0 $0x0  }
0x66: {  	[sflag:s0] =	ssyncadd.s32 @!p0 s1  }
0x67: {  	[bflag:$0x3] =	sbarrier.arrive $0xFFFF  }
0x68: {  	_ =	shalt  }

// kernel: kernel.8.cloned.1.call-start
scs
__scs_entry_jumppad:
0x0: {  	(pc) =	sbr.rel $0x88, $3  }
0x1: {  	(tag) =	ssettag $0x0;
	lr =	simm.s32 $0x1  }
0x2: {  	[smem:$0x3F99] =	sst lr;
	_ =	strace $0xD0000000  }
0x3: {  	_ = 	snop  }
0x4: {  	_ = 	snop  }
0x5: {  	_ = 	snop  }
0x6: {  	_ = 	snop  }
0x7: {  	_ = 	snop  }
__scs_overlays_trampoline_lowered:
0x8: {  	[smem:$0x3FA8] =	sst s0  }
0x9: {  	[smem:$0x3FA9] =	sst s1  }
0xa: {  	[smem:$0x3FAA] =	sst s2  }
0xb: {  	[smem:$0x3FAB] =	sst s3  }
0xc: {  	[smem:$0x3FAC] =	sst s4  }
0xd: {  	[smem:$0x3FAD] =	sst s5  }
0xe: {  	[smem:$0x3FAE] =	sst s6  }
0xf: {  	[smem:$0x3FAF] =	sst s7  }
0x10: {  	[smem:$0x3FB0] =	sst s8  }
0x11: {  	[smem:$0x3FB1] =	sst s9;
	s0 =	simm.s32 @!p0 $0x0  }
0x12: {  	s1 =	sld [smem:$0x3F97];
	s0 =	simm.s32 @p0 $0x1  }
0x13: {  	[smem:$0x3FB2] =	sst s0;
	s0 =	simm.s32 @!p1 $0x0  }
0x14: {  	s2 =	sld [smem:$0x3F96];
	s0 =	simm.s32 @p1 $0x1  }
0x15: {  	[smem:$0x3FB3] =	sst s0;
	s0 =	simm.s32 @!p2 $0x0  }
0x16: {  	s3 =	sld [smem:$0x3FDB];
	s0 =	simm.s32 @p2 $0x1  }
0x17: {  	s4 =	simm.s32 $0x1BF5;
	[smem:$0x3FB5] =	sst s0  }
0x18: {  	s0 =	sld [smem:$0x3F98];
	_ =	swait.ge [sflag:s4], $0x0  }
0x19: {  	s7 =	sld [smem:$0x3F99]  }
0x1a: {  	s8 =	sadd.s32 $0xFFFFE003, lr  }
0x1b: {  	s9 =	sadd.s32 $0xFFFFFEF7, lr;
	s5 =	simm.s32 $0xFFFFFFFF;
	p2 =	slt.u32 s8, $0xFFFFF086  }
0x1c: {  	p1 =	slt.u32 s9, $0xF7A;
	s5 =	simm.s32 @!p2 $0x0  }
0x1d: {  	s5 =	simm.s32 @p1 $0x1;
	p0 =	seq.s32 s7, s2  }
0x1e: {  	s7 =	smul.u32 @!p0 $0xF7A, s2;
	p2 =	seq.s32 @!p0 s5, $0x0  }
0x1f: {  	s9 =	smul.u32 $0xF7A, s1;
	s8 =	simm.s32 @!p0 $0x1BF5;
	p2 =	por !p2, p0  }
0x20: {  	[sflag:s8] =	ssyncset.s32 @!p0 $0xFFFFF086;
	s6 =	sadd.s32 @!p0 s3, s7;
	s7 =	simm.s32 @!p0 $0x108  }
0x21: {  	s3 =	sadd.s32 s3, s9;
	s6 =	sadd.s32 @!p0 $0x88, s6;
	s7 =	simm.s32 @p2 $0x1082  }
0x22: {  	[simem:s7], [sflag:s8] =	dma.local @!p0 [hbm:s6], $0xF7A  }
0x23: {  	s9 =	sor.u32 $0xD0000000, s2;
	s6 =	simm.s32 $0x108;
	_ =	swait.ge @!p0 [sflag:s8], $0x0  }
0x24: {  	s3 =	sadd.s32 $0x88, s3;
	s6 =	simm.s32 @!p1 $0x1082;
	[sflag:s4] =	ssyncset.s32 $0xFFFFF086  }
0x25: {  	[simem:s6], [sflag:s4] =	dma.local [hbm:s3], $0xF7A  }
0x26: {  	[smem:$0x3F99] =	sst s1;
	(tag) =	ssettag s2;
	_ =	strace s9  }
0x27: {  	s1 =	sld [smem:$0x3FA9]  }
0x28: {  	s2 =	sld [smem:$0x3FAA]  }
0x29: {  	s4 =	sld [smem:$0x3FAC]  }
0x2a: {  	p0 =	seq.s32 s5, $0x0;
	s5 =	sld [smem:$0x3FAD]  }
0x2b: {  	s6 =	sld [smem:$0x3FAE]  }
0x2c: {  	s7 =	sld [smem:$0x3FAF]  }
0x2d: {  	s3 =	simm.s32 $0x108;
	s8 =	sld [smem:$0x3FB0]  }
0x2e: {  	s3 =	simm.s32 @!p0 $0x1082;
	s9 =	sld [smem:$0x3FB1]  }
0x2f: {  	lr =	sadd.s32 s0, s3;
	s0 =	sld [smem:$0x3FA8]  }
0x30: {  	s3 =	sld [smem:$0x3FAB]  }
0x31: {  	[smem:$0x3FB4] =	sst s10  }
0x32: {  	s10 =	sld [smem:$0x3FB2];
	_ =	sdelay $0x3  }
0x33: {  	p0 =	seq.s32 s10, $0x1;
	s10 =	sld [smem:$0x3FB4];
	_ =	sdelay $0x3  }
0x34: {  	[smem:$0x3FB4] =	sst s10  }
0x35: {  	s10 =	sld [smem:$0x3FB3];
	_ =	sdelay $0x3  }
0x36: {  	p1 =	seq.s32 s10, $0x1;
	s10 =	sld [smem:$0x3FB4];
	_ =	sdelay $0x3  }
0x37: {  	[smem:$0x3FB4] =	sst s10  }
0x38: {  	s10 =	sld [smem:$0x3FB5]  }
0x39: {  	_ = 	snop;
	(pc) =	sbr.ind lr, $3  }
0x3a: {  	_ = 	snop  }
0x3b: {  	_ = 	snop  }
0x3c: {  	p2 =	seq.s32 s10, $0x1;
	s10 =	sld [smem:$0x3FB4]  }
0x3d: {  	_ =	shalt  }
0x3e: {  	_ =	shalt  }
0x3f: {  	_ =	shalt  }
0x40: {  	_ =	shalt  }
0x41: {  	_ =	shalt  }
0x42: {  	_ =	shalt  }
0x43: {  	_ =	shalt  }
0x44: {  	_ =	shalt  }
0x45: {  	_ =	shalt  }
0x46: {  	_ =	shalt  }
0x47: {  	_ =	shalt  }
0x48: {  	_ =	shalt  }
0x49: {  	_ =	shalt  }
0x4a: {  	_ =	shalt  }
0x4b: {  	_ =	shalt  }
0x4c: {  	_ =	shalt  }
0x4d: {  	_ =	shalt  }
0x4e: {  	_ =	shalt  }
0x4f: {  	_ =	shalt  }
0x50: {  	_ =	shalt  }
0x51: {  	_ =	shalt  }
0x52: {  	_ =	shalt  }
0x53: {  	_ =	shalt  }
0x54: {  	_ =	shalt  }
0x55: {  	_ =	shalt  }
0x56: {  	_ =	shalt  }
0x57: {  	_ =	shalt  }
0x58: {  	_ =	shalt  }
0x59: {  	_ =	shalt  }
0x5a: {  	_ =	shalt  }
0x5b: {  	_ =	shalt  }
0x5c: {  	_ =	shalt  }
0x5d: {  	_ =	shalt  }
0x5e: {  	_ =	shalt  }
0x5f: {  	_ =	shalt  }
0x60: {  	_ =	shalt  }
0x61: {  	_ =	shalt  }
0x62: {  	_ =	shalt  }
0x63: {  	_ =	shalt  }
0x64: {  	_ =	shalt  }
0x65: {  	_ =	shalt  }
0x66: {  	_ =	shalt  }
0x67: {  	_ =	shalt  }
0x68: {  	_ =	shalt  }
0x69: {  	_ =	shalt  }
0x6a: {  	_ =	shalt  }
0x6b: {  	_ =	shalt  }
0x6c: {  	_ =	shalt  }
0x6d: {  	_ =	shalt  }
0x6e: {  	_ =	shalt  }
0x6f: {  	_ =	shalt  }
0x70: {  	_ =	shalt  }
0x71: {  	_ =	shalt  }
0x72: {  	_ =	shalt  }
0x73: {  	_ =	shalt  }
0x74: {  	_ =	shalt  }
0x75: {  	_ =	shalt  }
0x76: {  	_ =	shalt  }
0x77: {  	_ =	shalt  }
0x78: {  	_ =	shalt  }
0x79: {  	_ =	shalt  }
0x7a: {  	_ =	shalt  }
0x7b: {  	_ =	shalt  }
0x7c: {  	_ =	shalt  }
0x7d: {  	_ =	shalt  }
0x7e: {  	_ =	shalt  }
0x7f: {  	_ =	shalt  }
0x80: {  	_ =	shalt  }
0x81: {  	_ =	shalt  }
0x82: {  	_ =	shalt  }
0x83: {  	_ =	shalt  }
0x84: {  	_ =	shalt  }
0x85: {  	_ =	shalt  }
0x86: {  	_ =	shalt  }
0x87: {  	_ =	shalt  }
.Lfunc_end0:
.L_simem_size_0:
called_computation.1_lowered:
.L_overlay_start_0:
0x88: {  	s2 =	sld [smem:$0x3FD9]  }
0x89: {  	s3 =	sld [smem:$0x3FFE];
	_ =	sdelay $0x1  }
0x8a: {  	s1 =	srdreg.scid  }
0x8b: {  	s0 =	sand.u32 $0x1, s1  }
0x8c: {  	s17 =	sshll.u32 s0, $0xA;
	s2 =	sadd.s32 s3, s2  }
0x8d: {  	s2 =	sadd.s32 s2, s17  }
0x8e: {  	[smem:$0x3FC0] =	sst s2  }
0x8f: {  	_ = 	snop  }
0x90: {  	s2 =	sld [smem:$0x3FD0];
	(tm) =	ssettm $0x1  }
0x91: {  	s18 =	sld [smem:$0x3FFB];
	_ =	sdelay $0x3  }
0x92: {  	_ =	strace s18  }
0x93: {  	s3 =	sld [smem:$0x3FFC];
	_ =	sdelay $0x3  }
0x94: {  	_ =	strace s3  }
0x95: {  	s3 =	sld [smem:$0x3FFD];
	_ =	sdelay $0x3  }
0x96: {  	_ =	strace s3  }
0x97: {  	_ =	strace $0x8FFFFFFF  }
0x98: {  	s19 =	sld [smem:$0x3FDB];
	_ =	sdelay $0x1  }
0x99: {  	s4 =	simm.s32 $_scs_section_size  }
0x9a: {  	s5 =	simm.s32 $_size__tile_overlayer_lowered;
	s6 =	simm.s32 $_tile_overlayer_lowered  }
0x9b: {  	s22 =	simm.s32 $0x1BFF;
	s21 =	sshll.u32 s6, $0x1;
	s3 =	sadd.s32 s4, s19  }
0x9c: {  	s7 =	simm.s32 $0x0;
	s20 =	sshll.u32 s5, $0x1;
	s5 =	sadd.s32 s21, s3  }
0x9d: {  	[timem:s7], [sflag:s22] =	dma.local [hbm:s5], s20  }
0x9e: {  	_ =	swait.ge [sflag:s22], s20  }
0x9f: {  	s4 =	ssub.s32 $0x0, s20;
	[sflag:s22] =	ssyncset.done $0x0  }
0xa0: {  	[sflag:s22] =	ssyncadd.s32 s4;
	_ =	sdelay $0x1  }
0xa1: {  	s23 =	simm.s32 $0x1B8B  }
0xa2: {  	_ =	swait.ge [sflag:s23], $0x1  }
0xa3: {  	[sflag:s23] =	ssyncset.done $0x0  }
0xa4: {  	s25 =	simm.s32 $0x1B8E;
	s24 =	sld [smem:$0x3FFE];
	[sflag:s23] =	ssyncadd.s32 $0xFFFFFFFF  }
0xa5: {  	s26 =	simm.s32 $execute0_lowered;
	[smem:$0x3FD2] =	sst s25  }
0xa6: {  	s5 =	sshll.u32 s26, $0x1;
	_ =	strace $0x80000049;
	[dreg:$0x1] =	wrdreg $0xFFFFFFFF  }
0xa7: {  	s28 =	simm.s32 $_size_execute0_lowered;
	s3 =	sadd.s32 s3, s5;
	[dreg:$0x0] =	wrdreg $0x0  }
0xa8: {  	s5 =	sshll.u32 s28, $0x1;
	[dreg:$0x2] =	wrdreg s3  }
0xa9: {  	[dreg:$0x3] =	wrdreg s5  }
0xaa: {  	[dreg:$0x4] =	wrdreg $0xC0  }
0xab: {  	_ =	task [dreg:s7], $0x5FFFF  }
0xac: {  	[dreg:$0x1] =	wrdreg $0xFFFFFFFF  }
0xad: {  	[dreg:$0x0] =	wrdreg $0x60  }
0xae: {  	[dreg:$0x2] =	wrdreg s24  }
0xaf: {  	[dreg:$0x3] =	wrdreg s2  }
0xb0: {  	[dreg:$0x4] =	wrdreg $0x9  }
0xb1: {  	_ =	task.clear_ibuf [dreg:s7], $0x5FFFF;
	_ =	strace $0x90000049  }
0xb2: {  	s29 =	simm.s32 $0x9;
	_ =	strace $0x8000004B  }
0xb3: {  	_ =	swait.ge [sflag:s29], $0x1  }
0xb4: {  	[sflag:s29] =	ssyncadd.s32 $0xFFFFFFFF  }
0xb5: {  	_ =	strace $0x9000004B  }
0xb6: {  	_ =	sfence  }
0xb7: {  	s30 =	sld [smem:$0x0];
	_ =	sdelay $0x2  }
0xb8: {  	s31 =	sshll.u32 s1, $0xD;
	s1 =	sshrl.u32 s1, $0x2  }
0xb9: {  	s3 =	sand.u32 $0x4000, s31;
	s1 =	sadd.s32 s1, s30  }
0xba: {  	s0 =	sor.u32 s3, s0;
	s1 =	sshll.u32 s1, $0x11  }
0xbb: {  	s0 =	sor.u32 s1, s0  }
0xbc: {  	s0 =	sadd.s32 $0x8F2B, s0  }
0xbd: {  	[sflag:s0] =	ssyncadd.remote.s32 $0x1  }
0xbe: {  	_ =	sfence.sel $0xFFFF  }
0xbf: {  	[dreg:$0x0] =	wrdreg $0xFFFFFFFF;
	(pc) =	sbr.abs _section_cstart, $3  }
0xc0: {  	[dreg:$0x1] =	wrdreg $0xFFFFFFFF  }
0xc1: {  	_ =	task.clear_ibuf [dreg:s7], $0x2FFFF;
	_ =	strace $0x9FFFFFFF  }
0xc2: {  	(tm) =	ssettm $0x7FFFFFFF  }
0xc3: {  	_ =	shalt  }
tec
execute0_lowered:
.L_overlay_start_1:
0x0: {  	(tag) =	ssettag $0x1  }
0x1: {  	s1 =	rddreg [dreg:$0x0];
	s0 =	simm.s32 $0x0  }
0x2: {  	s30 =	srdreg.scid;
	s4 =	stileid.u32;
	s11 =	simm.s32 $0x2  }
0x3: {  	s10 =	simm.s32 $0xA880;
	s12 =	simm.s32 $0xC080;
	s13 =	simm.s32 $0xC880  }
0x4: {  	s14 =	simm.s32 $0xD080;
	s15 =	simm.s32 $0xD880;
	s16 =	simm.s32 $0xE080  }
0x5: {  	s17 =	simm.s32 $0xE880;
	s18 =	simm.s32 $0xF080;
	s19 =	simm.s32 $0xF880  }
0x6: {  	s20 =	simm.s32 $0x1;
	s21 =	simm.s32 $0x10080;
	s22 =	simm.s32 $0x0  }
0x7: {  	[smem:$0x7FF] =	sst s0;
	s0 =	sand.u32 $0x1, s30;
	s5 =	sadd.s32 $0x92400, s1  }
0x8: {  	s4 =	sshll.u32 s4, $0x2;
	s7 =	sadd.s32 $0x100, s1;
	s2 =	ssub.s32 $0x2, s0  }
0x9: {  	s8 =	sadd.s32 $0x200, s1;
	s9 =	sadd.s32 $0x300, s1;
	s3 =	sshrl.u32 s2, $0x1  }
0xa: {  	v2 =	vlaneseq.u32;
	_ =	strace $0x8000004A;
	s0 =	sshll.u32 s0, $0x1;
	s2 =	ssub.s32 s2, s3  }
0xb: {  	vm0 =	vmmov $0xffff;
	v1 =	vshrl.u32 v2, $0x3;
	s6 =	sor.u32 s0, s4;
	s4 =	simm.s32 $0xA080;
	s31 =	smax.u32 s2, $0x1  }
0xc: {  	v0 =	vand.u32 $0x7, v2;
	v2 =	vor.u32 $0x8, v2;
	v1 =	vmul.u32 $0x8, v1;
	s3 =	simm.s32 $0xB880;
	s2 =	simm.s32 $0xB080;
	[dreg:$0x3] =	wrdreg s31  }
.LBB2_1:
0xd: {  	[dreg:$0x4] =	wrdreg s22;
	p0 =	por $0x1, $0x1;
	s22 =	simm.s32 $0x0  }
.LBB2_2:
0xe: {  	s22 =	sor.u32 s6, s22  }
0xf: {  	s23 =	sshll.u32 s22, $0x3  }
0x10: {  	s24 =	sadd.s32 s5, s23;
	s23 =	simm.s32 $0x0  }
0x11: {  	[tilespmem:s23], [sflag:$0x2] =	stream.linear.gather [hbm4b:s24+s23], $0x40, $0x38;
	[tilespmem:$0x18080] =	vst v63  }
0x12: {  	_ =	swait.ge [sflag:s11], $0x40  }
0x13: {  	[sflag:s11] =	ssyncset.done $0x0  }
0x14: {  	[sflag:s11] =	ssyncadd.s32 $0xFFFFFFC0  }
0x15: {  	v3 =	vld [tilespmem:$0x0];
	_ =	sdelay $0x4  }
0x16: {  	v4 =	vshll.u32 v3, $0x3  }
0x17: {  	v3 =	vand.u32 $0x7, v3;
	v4 =	vand.u32 $0xFFFFFFC0, v4  }
0x18: {  	v3 =	vor.u32 v3, v4  }
0x19: {  	v4 =	vperm.xlane v3, v0;
	_ =	sdelay $0x1  }
0x1a: {  	v4 =	vadd.s32 v1, v4;
	_ =	sdelay $0x3  }
0x1b: {  	s0 =	simm.s32 $0x80  }
0x1c: {  	[tilespmem:s0], [sflag:$0x1] =	stream.indirect_vreg.gather [hbm4b:s1+s23], $0x80, v4, vm0, $0xb8;
	[tilespmem:$0x18080] =	vst v63  }
0x1d: {  	s26 =	simm.s32 $0x880;
	v3 =	vperm.xlane v3, v2  }
0x1e: {  	[tilespmem:s26], [sflag:$0x1] =	stream.indirect_vreg.gather [hbm4b:s7+s23], $0x80, v4, vm0, $0xb8;
	[tilespmem:$0x18080] =	vst v63  }
0x1f: {  	s24 =	simm.s32 $0x1080;
	v3 =	vadd.s32 v1, v3  }
0x20: {  	[tilespmem:s24], [sflag:$0x1] =	stream.indirect_vreg.gather [hbm4b:s8+s23], $0x80, v4, vm0, $0xb8;
	[tilespmem:$0x18080] =	vst v63  }
0x21: {  	s25 =	simm.s32 $0x1880  }
0x22: {  	[tilespmem:s25], [sflag:$0x1] =	stream.indirect_vreg.gather [hbm4b:s9+s23], $0x80, v4, vm0, $0xb8;
	[tilespmem:$0x18080] =	vst v63  }
0x23: {  	s26 =	simm.s32 $0x2080  }
0x24: {  	[tilespmem:s26], [sflag:$0x1] =	stream.indirect_vreg.gather [hbm4b:s1+s23], $0x80, v3, vm0, $0xb8;
	[tilespmem:$0x18080] =	vst v63  }
0x25: {  	s24 =	simm.s32 $0x2880  }
0x26: {  	[tilespmem:s24], [sflag:$0x1] =	stream.indirect_vreg.gather [hbm4b:s7+s23], $0x80, v3, vm0, $0xb8;
	[tilespmem:$0x18080] =	vst v63  }
0x27: {  	s25 =	simm.s32 $0x3080  }
0x28: {  	[tilespmem:s25], [sflag:$0x1] =	stream.indirect_vreg.gather [hbm4b:s8+s23], $0x80, v3, vm0, $0xb8;
	[tilespmem:$0x18080] =	vst v63  }
0x29: {  	s26 =	simm.s32 $0x3880  }
0x2a: {  	[tilespmem:s26], [sflag:$0x1] =	stream.indirect_vreg.gather [hbm4b:s9+s23], $0x80, v3, vm0, $0xb8;
	[tilespmem:$0x18080] =	vst v63  }
0x2b: {  	v3 =	vld [tilespmem:$0x10];
	_ =	sdelay $0x4  }
0x2c: {  	v4 =	vshll.u32 v3, $0x3  }
0x2d: {  	v3 =	vand.u32 $0x7, v3;
	v4 =	vand.u32 $0xFFFFFFC0, v4  }
0x2e: {  	v3 =	vor.u32 v3, v4  }
0x2f: {  	v4 =	vperm.xlane v3, v0;
	_ =	sdelay $0x1  }
0x30: {  	v4 =	vadd.s32 v1, v4;
	_ =	sdelay $0x3  }
0x31: {  	s24 =	simm.s32 $0x4080  }
0x32: {  	[tilespmem:s24], [sflag:$0x1] =	stream.indirect_vreg.gather [hbm4b:s1+s23], $0x80, v4, vm0, $0xb8;
	[tilespmem:$0x18080] =	vst v63  }
0x33: {  	s25 =	simm.s32 $0x4880;
	v3 =	vperm.xlane v3, v2  }
0x34: {  	[tilespmem:s25], [sflag:$0x1] =	stream.indirect_vreg.gather [hbm4b:s7+s23], $0x80, v4, vm0, $0xb8;
	[tilespmem:$0x18080] =	vst v63  }
0x35: {  	s26 =	simm.s32 $0x5080;
	v3 =	vadd.s32 v1, v3  }
0x36: {  	[tilespmem:s26], [sflag:$0x1] =	stream.indirect_vreg.gather [hbm4b:s8+s23], $0x80, v4, vm0, $0xb8;
	[tilespmem:$0x18080] =	vst v63  }
0x37: {  	s24 =	simm.s32 $0x5880  }
0x38: {  	[tilespmem:s24], [sflag:$0x1] =	stream.indirect_vreg.gather [hbm4b:s9+s23], $0x80, v4, vm0, $0xb8;
	[tilespmem:$0x18080] =	vst v63  }
0x39: {  	s25 =	simm.s32 $0x6080  }
0x3a: {  	[tilespmem:s25], [sflag:$0x1] =	stream.indirect_vreg.gather [hbm4b:s1+s23], $0x80, v3, vm0, $0xb8;
	[tilespmem:$0x18080] =	vst v63  }
0x3b: {  	s26 =	simm.s32 $0x6880  }
0x3c: {  	[tilespmem:s26], [sflag:$0x1] =	stream.indirect_vreg.gather [hbm4b:s7+s23], $0x80, v3, vm0, $0xb8;
	[tilespmem:$0x18080] =	vst v63  }
0x3d: {  	s24 =	simm.s32 $0x7080  }
0x3e: {  	[tilespmem:s24], [sflag:$0x1] =	stream.indirect_vreg.gather [hbm4b:s8+s23], $0x80, v3, vm0, $0xb8;
	[tilespmem:$0x18080] =	vst v63  }
0x3f: {  	s25 =	simm.s32 $0x7880  }
0x40: {  	[tilespmem:s25], [sflag:$0x1] =	stream.indirect_vreg.gather [hbm4b:s9+s23], $0x80, v3, vm0, $0xb8;
	[tilespmem:$0x18080] =	vst v63  }
0x41: {  	v3 =	vld [tilespmem:$0x20];
	_ =	sdelay $0x4  }
0x42: {  	v4 =	vshll.u32 v3, $0x3  }
0x43: {  	v3 =	vand.u32 $0x7, v3;
	v4 =	vand.u32 $0xFFFFFFC0, v4  }
0x44: {  	v3 =	vor.u32 v3, v4  }
0x45: {  	v4 =	vperm.xlane v3, v0;
	_ =	sdelay $0x1  }
0x46: {  	v4 =	vadd.s32 v1, v4;
	_ =	sdelay $0x3  }
0x47: {  	s26 =	simm.s32 $0x8080  }
0x48: {  	[tilespmem:s26], [sflag:$0x1] =	stream.indirect_vreg.gather [hbm4b:s1+s23], $0x80, v4, vm0, $0xb8;
	[tilespmem:$0x18080] =	vst v63  }
0x49: {  	s24 =	simm.s32 $0x8880;
	v3 =	vperm.xlane v3, v2  }
0x4a: {  	[tilespmem:s24], [sflag:$0x1] =	stream.indirect_vreg.gather [hbm4b:s7+s23], $0x80, v4, vm0, $0xb8;
	[tilespmem:$0x18080] =	vst v63  }
0x4b: {  	s25 =	simm.s32 $0x9080;
	v3 =	vadd.s32 v1, v3  }
0x4c: {  	[tilespmem:s25], [sflag:$0x1] =	stream.indirect_vreg.gather [hbm4b:s8+s23], $0x80, v4, vm0, $0xb8;
	[tilespmem:$0x18080] =	vst v63  }
0x4d: {  	s26 =	simm.s32 $0x9880  }
0x4e: {  	[tilespmem:s26], [sflag:$0x1] =	stream.indirect_vreg.gather [hbm4b:s9+s23], $0x80, v4, vm0, $0xb8;
	[tilespmem:$0x18080] =	vst v63  }
0x4f: {  	_ = 	snop  }
0x50: {  	[tilespmem:s4], [sflag:$0x1] =	stream.indirect_vreg.gather [hbm4b:s1+s23], $0x80, v3, vm0, $0xb8;
	[tilespmem:$0x18080] =	vst v63  }
0x51: {  	_ = 	snop  }
0x52: {  	[tilespmem:s10], [sflag:$0x1] =	stream.indirect_vreg.gather [hbm4b:s7+s23], $0x80, v3, vm0, $0xb8;
	[tilespmem:$0x18080] =	vst v63  }
0x53: {  	_ = 	snop  }
0x54: {  	[tilespmem:s2], [sflag:$0x1] =	stream.indirect_vreg.gather [hbm4b:s8+s23], $0x80, v3, vm0, $0xb8;
	[tilespmem:$0x18080] =	vst v63  }
0x55: {  	_ = 	snop  }
0x56: {  	[tilespmem:s3], [sflag:$0x1] =	stream.indirect_vreg.gather [hbm4b:s9+s23], $0x80, v3, vm0, $0xb8;
	[tilespmem:$0x18080] =	vst v63  }
0x57: {  	v3 =	vld [tilespmem:$0x30];
	_ =	sdelay $0x4  }
0x58: {  	v4 =	vshll.u32 v3, $0x3  }
0x59: {  	v3 =	vand.u32 $0x7, v3;
	v4 =	vand.u32 $0xFFFFFFC0, v4  }
0x5a: {  	v3 =	vor.u32 v3, v4  }
0x5b: {  	v4 =	vperm.xlane v3, v0;
	_ =	sdelay $0x1  }
0x5c: {  	v4 =	vadd.s32 v1, v4;
	_ =	sdelay $0x4  }
0x5d: {  	[tilespmem:s12], [sflag:$0x1] =	stream.indirect_vreg.gather [hbm4b:s1+s23], $0x80, v4, vm0, $0xb8;
	[tilespmem:$0x18080] =	vst v63  }
0x5e: {  	v3 =	vperm.xlane v3, v2  }
0x5f: {  	[tilespmem:s13], [sflag:$0x1] =	stream.indirect_vreg.gather [hbm4b:s7+s23], $0x80, v4, vm0, $0xb8;
	[tilespmem:$0x18080] =	vst v63  }
0x60: {  	v3 =	vadd.s32 v1, v3  }
0x61: {  	[tilespmem:s14], [sflag:$0x1] =	stream.indirect_vreg.gather [hbm4b:s8+s23], $0x80, v4, vm0, $0xb8;
	[tilespmem:$0x18080] =	vst v63  }
0x62: {  	_ = 	snop  }
0x63: {  	[tilespmem:s15], [sflag:$0x1] =	stream.indirect_vreg.gather [hbm4b:s9+s23], $0x80, v4, vm0, $0xb8;
	[tilespmem:$0x18080] =	vst v63  }
0x64: {  	_ = 	snop  }
0x65: {  	[tilespmem:s16], [sflag:$0x1] =	stream.indirect_vreg.gather [hbm4b:s1+s23], $0x80, v3, vm0, $0xb8;
	[tilespmem:$0x18080] =	vst v63  }
0x66: {  	_ = 	snop  }
0x67: {  	[tilespmem:s17], [sflag:$0x1] =	stream.indirect_vreg.gather [hbm4b:s7+s23], $0x80, v3, vm0, $0xb8;
	[tilespmem:$0x18080] =	vst v63  }
0x68: {  	s28 =	sand.u32 $0x1C00, s23;
	s24 =	sand.u32 $0x70, s23  }
0x69: {  	[tilespmem:s18], [sflag:$0x1] =	stream.indirect_vreg.gather [hbm4b:s8+s23], $0x80, v3, vm0, $0xb8;
	[tilespmem:$0x18080] =	vst v63  }
0x6a: {  	s0 =	sor.u32 s28, s24;
	s25 =	simm.s32 $0x0;
	s26 =	simm.s32 $0x0  }
0x6b: {  	[tilespmem:s19], [sflag:$0x1] =	stream.indirect_vreg.gather [hbm4b:s9+s23], $0x80, v3, vm0, $0xb8;
	[tilespmem:$0x18080] =	vst v63  }
0x6c: {  	s23 =	sand.u32 $0x6000, s25;
	s25 =	sand.u32 $0x380, s26;
	_ =	swait.ge [sflag:s20], $0x10000  }
0x6d: {  	s26 =	sor.u32 s25, s0;
	s25 =	sor.u32 s25, s23;
	[sflag:s20] =	ssyncset.done $0x0  }
0x6e: {  	s23 =	sor.u32 s23, s26;
	s25 =	sor.u32 s28, s25;
	[sflag:s20] =	ssyncadd.s32 $0xFFFF0000  }
0x6f: {  	s28 =	sor.u32 s24, s25;
	v3 =	vld [tilespmem:s23+$0x80]  }
0x70: {  	v4 =	vld [tilespmem:s28+$0x8080]  }
0x71: {  	s29 =	simm.s32 $0x10;
	s31 =	simm.s32 $0x2;
	p1 =	por p0, p0  }
0x72: {  	s30 =	sand.u32 $0x6000, s29;
	s24 =	simm.s32 $0x10;
	s25 =	simm.s32 $0x80  }
0x73: {  	s26 =	sand.u32 $0x70, s24;
	s29 =	sand.u32 $0x1C00, s25;
	s28 =	simm.s32 $0x2  }
.LBB2_3:
0x74: {  	p0 =	sne.s32 s28, $0x7FF;
	s31 =	sand.u32 $0x380, s31;
	s0 =	sor.u32 s29, s26  }
0x75: {  	s0 =	sor.u32 s31, s0;
	s31 =	sor.u32 s31, s30;
	v4 =	vadd.f32 v4, v3  }
0x76: {  	s0 =	sor.u32 s30, s0;
	s29 =	sor.u32 s29, s31  }
.Ltmp0:
0x77: {  	v3 =	vld [tilespmem:s0+$0x80];
	s26 =	sor.u32 s26, s29;
	[tilespmem:s23+$0x10080] =	vst v4;
	s23 =	smov.u32 s0;
	(pc) =	sbr.rel @p0 .LBB2_3-.Ltmp0, $4  }
0x78: {  	v4 =	vld [tilespmem:s26+$0x8080]  }
0x79: {  	s24 =	sadd.s32 $0x10, s24;
	s25 =	sadd.s32 $0x80, s25  }
0x7a: {  	s31 =	sshll.u32 s28, $0x1;
	s0 =	sshll.u32 s28, $0x4;
	s26 =	sand.u32 $0x70, s24  }
0x7b: {  	s29 =	sand.u32 $0x1C00, s25;
	s28 =	sadd.s32 $0x1, s28;
	s30 =	sand.u32 $0x6000, s0  }
0x7c: {  	s0 =	sand.u32 $0x380, s31;
	s24 =	sor.u32 s29, s26  }
0x7d: {  	s24 =	sor.u32 s0, s24;
	s0 =	sor.u32 s0, s30;
	v3 =	vadd.f32 v4, v3  }
0x7e: {  	s24 =	sor.u32 s30, s24;
	s0 =	sor.u32 s29, s0  }
0x7f: {  	v63 =	vld [tilespmem:s24+$0x80];
	s0 =	sor.u32 s26, s0;
	[tilespmem:s23+$0x10080] =	vst v3  }
0x80: {  	v3 =	vld [tilespmem:s0+$0x8080];
	_ =	sdelay $0x4  }
0x81: {  	v3 =	vadd.f32 v3, v63  }
0x82: {  	s29 =	sshll.u32 s22, $0xC;
	s30 =	rddreg [dreg:$0x1]  }
.Ltmp1:
0x83: {  	s31 =	simm.s32 $0x0;
	s0 =	sadd.s32 s30, s29;
	[tilespmem:s24+$0x10080] =	vst v3;
	(pc) =	sbr.rel @p1 .LBB2_2-.Ltmp1, $4  }
0x84: {  	[hbm4b:s0+s31] =	stream.linear.scatter [tilespmem:s21], [sflag:$0x2], $0x8000, $0x38;
	[tilespmem:$0x18080] =	vst v63  }
0x85: {  	_ =	swait.ge [sflag:s11], $0x8000  }
0x86: {  	[sflag:s11] =	ssyncset.done $0x0  }
0x87: {  	p0 =	por $0x0, $0x0;
	s22 =	simm.s32 $0x1;
	[sflag:s11] =	ssyncadd.s32 $0xFFFF8000  }
0x88: {  	s22 =	rddreg [dreg:$0x4]  }
0x89: {  	s0 =	rddreg [dreg:$0x3];
	s22 =	sadd.s32 $0x1, s22  }
0x8a: {  	p0 =	sne.s32 s22, s0  }
.Ltmp2:
0x8b: {  	_ = 	snop;
	(pc) =	sbr.rel @p0 .LBB2_1-.Ltmp2, $1  }
0x8c: {  	_ =	sdelay $0x3  }
0x8d: {  	_ =	sfence.sel $0x180000  }
0x8e: {  	[bflag:$0x0] =	sbarrier.arrive $0xFFFF  }
0x8f: {  	_ =	strace $0x9000004A  }
0x90: {  	s0 =	stileid.u32;
	[bflag:$0x2] =	sbarrier.arrive $0xFFFF  }
0x91: {  	p0 =	sne.s32 s0, $0x0;
	s0 =	rddreg [dreg:$0x2]  }
0x92: {  	s0 =	sadd.s32 @!p0 $0x100000, s0  }
0x93: {  	[sflag:s0] =	ssyncadd.tile.s32 @!p0 $0x1;
	_ =	shalt  }
.Lfunc_end2:
_tile_overlayer_lowered:
.L_overlay_start_2:
0x94: {  	(tag) =	ssettag $0x2  }
0x95: {  	s0 =	rddreg [dreg:$0x0];
	s2 =	stileid.u32  }
0x96: {  	s1 =	rddreg [dreg:$0x1];
	p0 =	sne.s32 s2, $0x0  }
0x97: {  	s3 =	rddreg [dreg:$0x2];
	[bflag:$0x3] =	sbarrier.arrive $0xFFFF;
	s2 =	simm.s32 @!p0 $0x1C02  }
0x98: {  	[timem:s3], [sflag:s2] =	dma.local @!p0 [hbm:s0], s1  }
0x99: {  	s0 =	simm.s32 @!p0 $0x2  }
0x9a: {  	_ =	swait.ge @!p0 [sflag:s0], s1  }
0x9b: {  	s1 =	ssub.s32 @!p0 $0x0, s1;
	[sflag:s0] =	ssyncset.done @!p0 $0x0  }
0x9c: {  	[sflag:s0] =	ssyncadd.s32 @!p0 s1  }
0x9d: {  	[bflag:$0x3] =	sbarrier.arrive $0xFFFF  }
0x9e: {  	_ =	shalt  }

</sc_bundles>
